<compile_context>
chip_gen: v7x
topology: tpu7x:2x2x1
jax: 0.10.2.dev20260603
libtpu: 0.0.44.dev20260713+nightly
codegen_flags: <defaults>
</compile_context>

<pallas_src>
import functools

import jax
import jax.numpy as jnp
from jax import lax
from jax.experimental import pallas as pl
from jax.experimental.pallas import tpu as pltpu
from jax.experimental.pallas import tpu_sc as plsc

NUM_EMBEDDINGS = 8192
EMBEDDING_DIM = 32
COMMITMENT_COST = 0.25

ROW_TILE = 256
CHUNK = 4096


def _vq_body(z_ref, z2_ref, wt_ref, w2_ref, idx_ref, loss_ref):
    zb = z_ref[...]
    mm = jnp.dot(zb.astype(jnp.bfloat16), wt_ref[...].astype(jnp.bfloat16),
                 preferred_element_type=jnp.float32)
    d = z2_ref[...] - 2.0 * mm + w2_ref[...]
    ii_c = jax.lax.broadcasted_iota(jnp.int32, (ROW_TILE, CHUNK), 1)
    acc = jnp.full((ROW_TILE, 1), jnp.inf, jnp.float32)
    sel_val = jnp.full((ROW_TILE, 1), jnp.inf, jnp.float32)
    sel_idx = jnp.zeros((ROW_TILE, 1), jnp.int32)
    for c in range(NUM_EMBEDDINGS // CHUNK):
        blk = d[:, c * CHUNK:(c + 1) * CHUNK]
        cm = jnp.min(blk, axis=1, keepdims=True)
        cidx = jnp.min(jnp.where(blk == cm, ii_c, jnp.int32(CHUNK)),
                       axis=1, keepdims=True) + c * CHUNK
        upd = cm < acc
        acc = jnp.where(upd, cm.astype(jnp.bfloat16).astype(jnp.float32), acc)
        sel_val = jnp.where(upd, cm, sel_val)
        sel_idx = jnp.where(upd, cidx, sel_idx)
    idx_ref[0, 0, :] = sel_idx[:, 0]

    @pl.when(pl.program_id(0) == 0)
    def _init():
        loss_ref[...] = jnp.zeros((1, 1), jnp.float32)

    loss_ref[...] += jnp.sum(sel_val).reshape(1, 1)


_SC_INFO = plsc.get_sparse_core_info()
_NW = _SC_INFO.num_cores * _SC_INFO.num_subcores
_GC = 128


def _sc_gather_body(table_hbm, idx_hbm, out_hbm, idx_v, rows_v, sem):
    wid = lax.axis_index("s") * _SC_INFO.num_cores + lax.axis_index("c")
    n_chunks = idx_v.shape[0]
    base = wid * (n_chunks * _GC)
    for j in range(n_chunks):
        off = base + j * _GC
        pltpu.sync_copy(idx_hbm.at[pl.ds(off, _GC)], idx_v.at[j])
        pltpu.async_copy(table_hbm.at[idx_v.at[j]], rows_v.at[j], sem).wait()
        pltpu.sync_copy(rows_v.at[j], out_hbm.at[pl.ds(off, _GC)])


def _sc_gather(W, idx_flat):
    B = idx_flat.shape[0]
    K = W.shape[0]
    W128 = jnp.pad(W, ((0, 0), (0, 128 - W.shape[1])))
    n_chunks = B // (_NW * _GC)
    k = functools.partial(
        pl.kernel,
        out_type=jax.ShapeDtypeStruct((B, 128), jnp.float32),
        mesh=plsc.VectorSubcoreMesh(core_axis_name="c", subcore_axis_name="s"),
        scratch_types=[
            pltpu.VMEM((n_chunks, _GC), jnp.int32),
            pltpu.VMEM((n_chunks, _GC, 128), jnp.float32),
            pltpu.SemaphoreType.DMA,
        ],
    )(_sc_gather_body)
    return k(W128, idx_flat)[:, :W.shape[1]]


def kernel(z, W):
    D = W.shape[1]
    K = W.shape[0]
    flat_z = z.reshape(-1, D)
    N = flat_z.shape[0]
    n_tiles = N // ROW_TILE

    z2 = jnp.sum(flat_z ** 2, axis=1, keepdims=True)
    w2 = jnp.sum(W ** 2, axis=1).reshape(1, K)
    wt = W.T

    idx_out, loss_sum = pl.pallas_call(
        _vq_body,
        grid=(n_tiles,),
        in_specs=[
            pl.BlockSpec((ROW_TILE, D), lambda i: (i, 0)),
            pl.BlockSpec((ROW_TILE, 1), lambda i: (i, 0)),
            pl.BlockSpec((D, K), lambda i: (0, 0)),
            pl.BlockSpec((1, K), lambda i: (0, 0)),
        ],
        out_specs=[
            pl.BlockSpec((1, 1, ROW_TILE), lambda i: (i, 0, 0)),
            pl.BlockSpec((1, 1), lambda i: (0, 0)),
        ],
        out_shape=[
            jax.ShapeDtypeStruct((n_tiles, 1, ROW_TILE), jnp.int32),
            jax.ShapeDtypeStruct((1, 1), jnp.float32),
        ],
    )(flat_z, z2, wt, w2)

    idx_flat = idx_out.reshape(N)
    quantized = _sc_gather(W, idx_flat).reshape(z.shape)
    indices = idx_out.reshape(z.shape[0], -1)
    loss = loss_sum[0, 0] * ((1.0 + COMMITMENT_COST) / (N * D))
    return quantized, indices, loss

# --- scband reference (transcript-rebuilt; emitter-appended) ---
"""Pipeline reference for scband-vector-quantizer-39402029974034 (READ-ONLY COPY).

The authoritative reference and input builder live on the scoring server;
editing this copy changes nothing except your own understanding.
"""

import jax, jax.numpy as jnp
import numpy as np

NUM_EMBEDDINGS = 8192
EMBEDDING_DIM = 32
COMMITMENT_COST = 0.25


def setup_inputs(seed: int = 0) -> dict:
    key = jax.random.key(seed)
    k1, k2 = jax.random.split(key)
    z = jax.random.normal(k1, (16, 1024, EMBEDDING_DIM), dtype=jnp.float32)
    W = jax.random.uniform(
        k2,
        (NUM_EMBEDDINGS, EMBEDDING_DIM),
        minval=-1.0 / NUM_EMBEDDINGS,
        maxval=1.0 / NUM_EMBEDDINGS,
        dtype=jnp.float32,
    )
    return {"z": z, "W": W}


def reference(z, W):
    D = W.shape[1]
    flat_z = z.reshape(-1, D)
    distances = (
        jnp.sum(flat_z ** 2, axis=1, keepdims=True)
        - 2.0 * (flat_z @ W.T)
        + jnp.sum(W ** 2, axis=1)
    )
    encoding_indices = jnp.argmin(distances, axis=1)
    quantized = jnp.take(W, encoding_indices, axis=0)
    # straight-through estimator
    quantized_st = flat_z + jax.lax.stop_gradient(quantized - flat_z)
    loss = jnp.mean((jax.lax.stop_gradient(quantized_st) - flat_z) ** 2) + \
        COMMITMENT_COST * jnp.mean((quantized_st - jax.lax.stop_gradient(flat_z)) ** 2)
    return (
        quantized_st.reshape(z.shape),
        encoding_indices.reshape(z.shape[0], -1),
        loss,
    )

if __name__ == "__main__":
    import jax
    _d = setup_inputs()
    print(jax.jit(kernel)(*tuple(_d.values())))

</pallas_src>

<mosaic_0001>
#map = affine_map<(d0, d1) -> (0, 0)>
#map1 = affine_map<(d0, d1) -> (0)>
module attributes {stable_mosaic.version = 14 : i64} {
  func.func @_sc_gather_body(%arg0: i32, %arg1: i32, %arg2: memref<8192x128xf32, #tpu.memory_space<hbm>>, %arg3: memref<16384xi32, #tpu.memory_space<hbm>>, %arg4: memref<16384x128xf32, #tpu.memory_space<hbm>>, %arg5: memref<4x128xi32, #tpu.memory_space<vmem>>, %arg6: memref<4x128x128xf32, #tpu.memory_space<vmem>>, %arg7: memref<!tpu.dma_semaphore, #tpu.memory_space<semaphore_mem>>) attributes {dimension_semantics = [#tpu.dimension_semantics<core_parallel>, #tpu.dimension_semantics<subcore_parallel>], iteration_bounds = array<i64: 2, 16>, scalar_prefetch = 0 : i64, scratch_operands = 3 : i64, tpu.core_type = #tpu.core_type<sc_vector_subcore>, window_params = [{transform_indices = #map}, {transform_indices = #map1}, {transform_indices = #map}]} {
    %mul3A = arith.constant 2 : i32
    %mul3A_0 = arith.muli %arg1, %mul3A : i32
    %add3A = arith.addi %mul3A_0, %arg0 : i32
    %mul3A_1 = arith.constant 512 : i32
    %mul3A_2 = arith.muli %add3A, %mul3A_1 : i32
    %add3A_3 = arith.constant 0 : i32
    %add3A_4 = arith.addi %mul3A_2, %add3A_3 : i32
    %run_scoped3A = arith.constant 0 : i32
    "tpu.region"() ({
      %run_scoped3A_112 = tpu.sem_alloc : memref<!tpu.dma_semaphore, #tpu.memory_space<semaphore_mem>>
      %dma_start3A_113 = arith.constant 0 : i32
      %dma_start3A_114 = tpu.memref_slice %arg5[%run_scoped3A, %dma_start3A_113] : memref<4x128xi32, #tpu.memory_space<vmem>> -> memref<1x128xi32, #tpu.memory_space<vmem>>
      %dma_start3A_115 = tpu.memref_squeeze %dma_start3A_114 : memref<1x128xi32, #tpu.memory_space<vmem>> -> memref<128xi32, #tpu.memory_space<vmem>>
      %dma_start3A_116 = tpu.memref_slice %arg3[%add3A_4] : memref<16384xi32, #tpu.memory_space<hbm>> -> memref<128xi32, #tpu.memory_space<hbm>>
      %dma_start3A_117 = arith.constant 0 : i32
      %dma_start3A_118 = tpu.memref_slice %arg5[%run_scoped3A, %dma_start3A_117] : memref<4x128xi32, #tpu.memory_space<vmem>> -> memref<1x128xi32, #tpu.memory_space<vmem>>
      %dma_start3A_119 = tpu.memref_squeeze %dma_start3A_118 : memref<1x128xi32, #tpu.memory_space<vmem>> -> memref<128xi32, #tpu.memory_space<vmem>>
      %dma_start3A_120 = tpu.memref_slice %arg3[%add3A_4] : memref<16384xi32, #tpu.memory_space<hbm>> -> memref<128xi32, #tpu.memory_space<hbm>>
      tpu.enqueue_dma source(%dma_start3A_120 : memref<128xi32, #tpu.memory_space<hbm>>) target(%dma_start3A_119 : memref<128xi32, #tpu.memory_space<vmem>>) target_semaphore(%run_scoped3A_112 : memref<!tpu.dma_semaphore, #tpu.memory_space<semaphore_mem>>)
      %dma_wait3A_121 = arith.constant 0 : i32
      %dma_wait3A_122 = tpu.memref_slice %arg5[%run_scoped3A, %dma_wait3A_121] : memref<4x128xi32, #tpu.memory_space<vmem>> -> memref<1x128xi32, #tpu.memory_space<vmem>>
      %dma_wait3A_123 = tpu.memref_squeeze %dma_wait3A_122 : memref<1x128xi32, #tpu.memory_space<vmem>> -> memref<128xi32, #tpu.memory_space<vmem>>
      %dma_wait3A_124 = tpu.memref_slice %arg3[%add3A_4] : memref<16384xi32, #tpu.memory_space<hbm>> -> memref<128xi32, #tpu.memory_space<hbm>>
      %dma_wait3A_125 = arith.constant 0 : i32
      %dma_wait3A_126 = tpu.memref_slice %arg5[%run_scoped3A, %dma_wait3A_125] : memref<4x128xi32, #tpu.memory_space<vmem>> -> memref<1x128xi32, #tpu.memory_space<vmem>>
      %dma_wait3A_127 = tpu.memref_squeeze %dma_wait3A_126 : memref<1x128xi32, #tpu.memory_space<vmem>> -> memref<128xi32, #tpu.memory_space<vmem>>
      %dma_wait3A_128 = tpu.memref_slice %arg3[%add3A_4] : memref<16384xi32, #tpu.memory_space<hbm>> -> memref<128xi32, #tpu.memory_space<hbm>>
      tpu.wait_dma2 semaphore(%run_scoped3A_112 : memref<!tpu.dma_semaphore, #tpu.memory_space<semaphore_mem>>) src(%dma_wait3A_128 : memref<128xi32, #tpu.memory_space<hbm>>) dst(%dma_wait3A_127 : memref<128xi32, #tpu.memory_space<vmem>>)
      tpu.yield
    }) : () -> ()
    %dma_start3A = arith.constant 0 : i32
    %dma_start3A_5 = arith.constant 0 : i32
    %dma_start3A_6 = arith.constant 0 : i32
    %dma_start3A_7 = arith.constant 0 : i32
    %dma_start3A_8 = tpu.memref_slice %arg6[%dma_start3A_5, %dma_start3A_6, %dma_start3A_7] : memref<4x128x128xf32, #tpu.memory_space<vmem>> -> memref<1x128x128xf32, #tpu.memory_space<vmem>>
    %dma_start3A_9 = tpu.memref_squeeze %dma_start3A_8 : memref<1x128x128xf32, #tpu.memory_space<vmem>> -> memref<128x128xf32, #tpu.memory_space<vmem>>
    %dma_start3A_10 = arith.constant 0 : i32
    %dma_start3A_11 = tpu.memref_slice %arg5[%dma_start3A, %dma_start3A_10] : memref<4x128xi32, #tpu.memory_space<vmem>> -> memref<1x128xi32, #tpu.memory_space<vmem>>
    %dma_start3A_12 = tpu.memref_squeeze %dma_start3A_11 : memref<1x128xi32, #tpu.memory_space<vmem>> -> memref<128xi32, #tpu.memory_space<vmem>>
    %dma_start3A_13 = arith.constant 0 : i32
    %dma_start3A_14 = arith.constant 0 : i32
    %dma_start3A_15 = tpu.memref_slice %arg2[%dma_start3A_13, %dma_start3A_14] : memref<8192x128xf32, #tpu.memory_space<hbm>> -> memref<8192x128xf32, #tpu.memory_space<hbm>>
    tpu.enqueue_indirect_dma source(%dma_start3A_15 : memref<8192x128xf32, #tpu.memory_space<hbm>>) target(%dma_start3A_9 : memref<128x128xf32, #tpu.memory_space<vmem>>) offsets(%dma_start3A_12 : memref<128xi32, #tpu.memory_space<vmem>>) semaphore(%arg7 : memref<!tpu.dma_semaphore, #tpu.memory_space<semaphore_mem>>)
    %dma_wait3A = arith.constant 0 : i32
    %dma_wait3A_16 = arith.constant 0 : i32
    %dma_wait3A_17 = arith.constant 0 : i32
    %dma_wait3A_18 = arith.constant 0 : i32
    %dma_wait3A_19 = tpu.memref_slice %arg6[%dma_wait3A_16, %dma_wait3A_17, %dma_wait3A_18] : memref<4x128x128xf32, #tpu.memory_space<vmem>> -> memref<1x128x128xf32, #tpu.memory_space<vmem>>
    %dma_wait3A_20 = tpu.memref_squeeze %dma_wait3A_19 : memref<1x128x128xf32, #tpu.memory_space<vmem>> -> memref<128x128xf32, #tpu.memory_space<vmem>>
    %dma_wait3A_21 = arith.constant 0 : i32
    %dma_wait3A_22 = tpu.memref_slice %arg5[%dma_wait3A, %dma_wait3A_21] : memref<4x128xi32, #tpu.memory_space<vmem>> -> memref<1x128xi32, #tpu.memory_space<vmem>>
    %dma_wait3A_23 = tpu.memref_squeeze %dma_wait3A_22 : memref<1x128xi32, #tpu.memory_space<vmem>> -> memref<128xi32, #tpu.memory_space<vmem>>
    %dma_wait3A_24 = arith.constant 0 : i32
    %dma_wait3A_25 = arith.constant 0 : i32
    %dma_wait3A_26 = tpu.memref_slice %arg2[%dma_wait3A_24, %dma_wait3A_25] : memref<8192x128xf32, #tpu.memory_space<hbm>> -> memref<8192x128xf32, #tpu.memory_space<hbm>>
    tpu.wait_indirect_dma semaphore(%arg7 : memref<!tpu.dma_semaphore, #tpu.memory_space<semaphore_mem>>) src(%dma_wait3A_26 : memref<8192x128xf32, #tpu.memory_space<hbm>>) dst(%dma_wait3A_20 : memref<128x128xf32, #tpu.memory_space<vmem>>)
    %run_scoped3A_27 = arith.constant 0 : i32
    "tpu.region"() ({
      %run_scoped3A_112 = tpu.sem_alloc : memref<!tpu.dma_semaphore, #tpu.memory_space<semaphore_mem>>
      %dma_start3A_113 = arith.constant 0 : i32
      %dma_start3A_114 = arith.constant 0 : i32
      %dma_start3A_115 = tpu.memref_slice %arg6[%run_scoped3A_27, %dma_start3A_113, %dma_start3A_114] : memref<4x128x128xf32, #tpu.memory_space<vmem>> -> memref<1x128x128xf32, #tpu.memory_space<vmem>>
      %dma_start3A_116 = tpu.memref_squeeze %dma_start3A_115 : memref<1x128x128xf32, #tpu.memory_space<vmem>> -> memref<128x128xf32, #tpu.memory_space<vmem>>
      %dma_start3A_117 = arith.constant 0 : i32
      %dma_start3A_118 = tpu.memref_slice %arg4[%add3A_4, %dma_start3A_117] : memref<16384x128xf32, #tpu.memory_space<hbm>> -> memref<128x128xf32, #tpu.memory_space<hbm>>
      %dma_start3A_119 = arith.constant 0 : i32
      %dma_start3A_120 = tpu.memref_slice %arg4[%add3A_4, %dma_start3A_119] : memref<16384x128xf32, #tpu.memory_space<hbm>> -> memref<128x128xf32, #tpu.memory_space<hbm>>
      %dma_start3A_121 = arith.constant 0 : i32
      %dma_start3A_122 = arith.constant 0 : i32
      %dma_start3A_123 = tpu.memref_slice %arg6[%run_scoped3A_27, %dma_start3A_121, %dma_start3A_122] : memref<4x128x128xf32, #tpu.memory_space<vmem>> -> memref<1x128x128xf32, #tpu.memory_space<vmem>>
      %dma_start3A_124 = tpu.memref_squeeze %dma_start3A_123 : memref<1x128x128xf32, #tpu.memory_space<vmem>> -> memref<128x128xf32, #tpu.memory_space<vmem>>
      tpu.enqueue_dma source(%dma_start3A_124 : memref<128x128xf32, #tpu.memory_space<vmem>>) target(%dma_start3A_120 : memref<128x128xf32, #tpu.memory_space<hbm>>) target_semaphore(%run_scoped3A_112 : memref<!tpu.dma_semaphore, #tpu.memory_space<semaphore_mem>>)
      %dma_wait3A_125 = arith.constant 0 : i32
      %dma_wait3A_126 = arith.constant 0 : i32
      %dma_wait3A_127 = tpu.memref_slice %arg6[%run_scoped3A_27, %dma_wait3A_125, %dma_wait3A_126] : memref<4x128x128xf32, #tpu.memory_space<vmem>> -> memref<1x128x128xf32, #tpu.memory_space<vmem>>
      %dma_wait3A_128 = tpu.memref_squeeze %dma_wait3A_127 : memref<1x128x128xf32, #tpu.memory_space<vmem>> -> memref<128x128xf32, #tpu.memory_space<vmem>>
      %dma_wait3A_129 = arith.constant 0 : i32
      %dma_wait3A_130 = tpu.memref_slice %arg4[%add3A_4, %dma_wait3A_129] : memref<16384x128xf32, #tpu.memory_space<hbm>> -> memref<128x128xf32, #tpu.memory_space<hbm>>
      %dma_wait3A_131 = arith.constant 0 : i32
      %dma_wait3A_132 = tpu.memref_slice %arg4[%add3A_4, %dma_wait3A_131] : memref<16384x128xf32, #tpu.memory_space<hbm>> -> memref<128x128xf32, #tpu.memory_space<hbm>>
      %dma_wait3A_133 = arith.constant 0 : i32
      %dma_wait3A_134 = arith.constant 0 : i32
      %dma_wait3A_135 = tpu.memref_slice %arg6[%run_scoped3A_27, %dma_wait3A_133, %dma_wait3A_134] : memref<4x128x128xf32, #tpu.memory_space<vmem>> -> memref<1x128x128xf32, #tpu.memory_space<vmem>>
      %dma_wait3A_136 = tpu.memref_squeeze %dma_wait3A_135 : memref<1x128x128xf32, #tpu.memory_space<vmem>> -> memref<128x128xf32, #tpu.memory_space<vmem>>
      tpu.wait_dma2 semaphore(%run_scoped3A_112 : memref<!tpu.dma_semaphore, #tpu.memory_space<semaphore_mem>>) src(%dma_wait3A_136 : memref<128x128xf32, #tpu.memory_space<vmem>>) dst(%dma_wait3A_132 : memref<128x128xf32, #tpu.memory_space<hbm>>)
      tpu.yield
    }) : () -> ()
    %add3A_28 = arith.constant 128 : i32
    %add3A_29 = arith.addi %mul3A_2, %add3A_28 : i32
    %run_scoped3A_30 = arith.constant 1 : i32
    "tpu.region"() ({
      %run_scoped3A_112 = tpu.sem_alloc : memref<!tpu.dma_semaphore, #tpu.memory_space<semaphore_mem>>
      %dma_start3A_113 = arith.constant 0 : i32
      %dma_start3A_114 = tpu.memref_slice %arg5[%run_scoped3A_30, %dma_start3A_113] : memref<4x128xi32, #tpu.memory_space<vmem>> -> memref<1x128xi32, #tpu.memory_space<vmem>>
      %dma_start3A_115 = tpu.memref_squeeze %dma_start3A_114 : memref<1x128xi32, #tpu.memory_space<vmem>> -> memref<128xi32, #tpu.memory_space<vmem>>
      %dma_start3A_116 = tpu.memref_slice %arg3[%add3A_29] : memref<16384xi32, #tpu.memory_space<hbm>> -> memref<128xi32, #tpu.memory_space<hbm>>
      %dma_start3A_117 = arith.constant 0 : i32
      %dma_start3A_118 = tpu.memref_slice %arg5[%run_scoped3A_30, %dma_start3A_117] : memref<4x128xi32, #tpu.memory_space<vmem>> -> memref<1x128xi32, #tpu.memory_space<vmem>>
      %dma_start3A_119 = tpu.memref_squeeze %dma_start3A_118 : memref<1x128xi32, #tpu.memory_space<vmem>> -> memref<128xi32, #tpu.memory_space<vmem>>
      %dma_start3A_120 = tpu.memref_slice %arg3[%add3A_29] : memref<16384xi32, #tpu.memory_space<hbm>> -> memref<128xi32, #tpu.memory_space<hbm>>
      tpu.enqueue_dma source(%dma_start3A_120 : memref<128xi32, #tpu.memory_space<hbm>>) target(%dma_start3A_119 : memref<128xi32, #tpu.memory_space<vmem>>) target_semaphore(%run_scoped3A_112 : memref<!tpu.dma_semaphore, #tpu.memory_space<semaphore_mem>>)
      %dma_wait3A_121 = arith.constant 0 : i32
      %dma_wait3A_122 = tpu.memref_slice %arg5[%run_scoped3A_30, %dma_wait3A_121] : memref<4x128xi32, #tpu.memory_space<vmem>> -> memref<1x128xi32, #tpu.memory_space<vmem>>
      %dma_wait3A_123 = tpu.memref_squeeze %dma_wait3A_122 : memref<1x128xi32, #tpu.memory_space<vmem>> -> memref<128xi32, #tpu.memory_space<vmem>>
      %dma_wait3A_124 = tpu.memref_slice %arg3[%add3A_29] : memref<16384xi32, #tpu.memory_space<hbm>> -> memref<128xi32, #tpu.memory_space<hbm>>
      %dma_wait3A_125 = arith.constant 0 : i32
      %dma_wait3A_126 = tpu.memref_slice %arg5[%run_scoped3A_30, %dma_wait3A_125] : memref<4x128xi32, #tpu.memory_space<vmem>> -> memref<1x128xi32, #tpu.memory_space<vmem>>
      %dma_wait3A_127 = tpu.memref_squeeze %dma_wait3A_126 : memref<1x128xi32, #tpu.memory_space<vmem>> -> memref<128xi32, #tpu.memory_space<vmem>>
      %dma_wait3A_128 = tpu.memref_slice %arg3[%add3A_29] : memref<16384xi32, #tpu.memory_space<hbm>> -> memref<128xi32, #tpu.memory_space<hbm>>
      tpu.wait_dma2 semaphore(%run_scoped3A_112 : memref<!tpu.dma_semaphore, #tpu.memory_space<semaphore_mem>>) src(%dma_wait3A_128 : memref<128xi32, #tpu.memory_space<hbm>>) dst(%dma_wait3A_127 : memref<128xi32, #tpu.memory_space<vmem>>)
      tpu.yield
    }) : () -> ()
    %dma_start3A_31 = arith.constant 1 : i32
    %dma_start3A_32 = arith.constant 1 : i32
    %dma_start3A_33 = arith.constant 0 : i32
    %dma_start3A_34 = arith.constant 0 : i32
    %dma_start3A_35 = tpu.memref_slice %arg6[%dma_start3A_32, %dma_start3A_33, %dma_start3A_34] : memref<4x128x128xf32, #tpu.memory_space<vmem>> -> memref<1x128x128xf32, #tpu.memory_space<vmem>>
    %dma_start3A_36 = tpu.memref_squeeze %dma_start3A_35 : memref<1x128x128xf32, #tpu.memory_space<vmem>> -> memref<128x128xf32, #tpu.memory_space<vmem>>
    %dma_start3A_37 = arith.constant 0 : i32
    %dma_start3A_38 = tpu.memref_slice %arg5[%dma_start3A_31, %dma_start3A_37] : memref<4x128xi32, #tpu.memory_space<vmem>> -> memref<1x128xi32, #tpu.memory_space<vmem>>
    %dma_start3A_39 = tpu.memref_squeeze %dma_start3A_38 : memref<1x128xi32, #tpu.memory_space<vmem>> -> memref<128xi32, #tpu.memory_space<vmem>>
    %dma_start3A_40 = arith.constant 0 : i32
    %dma_start3A_41 = arith.constant 0 : i32
    %dma_start3A_42 = tpu.memref_slice %arg2[%dma_start3A_40, %dma_start3A_41] : memref<8192x128xf32, #tpu.memory_space<hbm>> -> memref<8192x128xf32, #tpu.memory_space<hbm>>
    tpu.enqueue_indirect_dma source(%dma_start3A_42 : memref<8192x128xf32, #tpu.memory_space<hbm>>) target(%dma_start3A_36 : memref<128x128xf32, #tpu.memory_space<vmem>>) offsets(%dma_start3A_39 : memref<128xi32, #tpu.memory_space<vmem>>) semaphore(%arg7 : memref<!tpu.dma_semaphore, #tpu.memory_space<semaphore_mem>>)
    %dma_wait3A_43 = arith.constant 1 : i32
    %dma_wait3A_44 = arith.constant 1 : i32
    %dma_wait3A_45 = arith.constant 0 : i32
    %dma_wait3A_46 = arith.constant 0 : i32
    %dma_wait3A_47 = tpu.memref_slice %arg6[%dma_wait3A_44, %dma_wait3A_45, %dma_wait3A_46] : memref<4x128x128xf32, #tpu.memory_space<vmem>> -> memref<1x128x128xf32, #tpu.memory_space<vmem>>
    %dma_wait3A_48 = tpu.memref_squeeze %dma_wait3A_47 : memref<1x128x128xf32, #tpu.memory_space<vmem>> -> memref<128x128xf32, #tpu.memory_space<vmem>>
    %dma_wait3A_49 = arith.constant 0 : i32
    %dma_wait3A_50 = tpu.memref_slice %arg5[%dma_wait3A_43, %dma_wait3A_49] : memref<4x128xi32, #tpu.memory_space<vmem>> -> memref<1x128xi32, #tpu.memory_space<vmem>>
    %dma_wait3A_51 = tpu.memref_squeeze %dma_wait3A_50 : memref<1x128xi32, #tpu.memory_space<vmem>> -> memref<128xi32, #tpu.memory_space<vmem>>
    %dma_wait3A_52 = arith.constant 0 : i32
    %dma_wait3A_53 = arith.constant 0 : i32
    %dma_wait3A_54 = tpu.memref_slice %arg2[%dma_wait3A_52, %dma_wait3A_53] : memref<8192x128xf32, #tpu.memory_space<hbm>> -> memref<8192x128xf32, #tpu.memory_space<hbm>>
    tpu.wait_indirect_dma semaphore(%arg7 : memref<!tpu.dma_semaphore, #tpu.memory_space<semaphore_mem>>) src(%dma_wait3A_54 : memref<8192x128xf32, #tpu.memory_space<hbm>>) dst(%dma_wait3A_48 : memref<128x128xf32, #tpu.memory_space<vmem>>)
    %run_scoped3A_55 = arith.constant 1 : i32
    "tpu.region"() ({
      %run_scoped3A_112 = tpu.sem_alloc : memref<!tpu.dma_semaphore, #tpu.memory_space<semaphore_mem>>
      %dma_start3A_113 = arith.constant 0 : i32
      %dma_start3A_114 = arith.constant 0 : i32
      %dma_start3A_115 = tpu.memref_slice %arg6[%run_scoped3A_55, %dma_start3A_113, %dma_start3A_114] : memref<4x128x128xf32, #tpu.memory_space<vmem>> -> memref<1x128x128xf32, #tpu.memory_space<vmem>>
      %dma_start3A_116 = tpu.memref_squeeze %dma_start3A_115 : memref<1x128x128xf32, #tpu.memory_space<vmem>> -> memref<128x128xf32, #tpu.memory_space<vmem>>
      %dma_start3A_117 = arith.constant 0 : i32
      %dma_start3A_118 = tpu.memref_slice %arg4[%add3A_29, %dma_start3A_117] : memref<16384x128xf32, #tpu.memory_space<hbm>> -> memref<128x128xf32, #tpu.memory_space<hbm>>
      %dma_start3A_119 = arith.constant 0 : i32
      %dma_start3A_120 = tpu.memref_slice %arg4[%add3A_29, %dma_start3A_119] : memref<16384x128xf32, #tpu.memory_space<hbm>> -> memref<128x128xf32, #tpu.memory_space<hbm>>
      %dma_start3A_121 = arith.constant 0 : i32
      %dma_start3A_122 = arith.constant 0 : i32
      %dma_start3A_123 = tpu.memref_slice %arg6[%run_scoped3A_55, %dma_start3A_121, %dma_start3A_122] : memref<4x128x128xf32, #tpu.memory_space<vmem>> -> memref<1x128x128xf32, #tpu.memory_space<vmem>>
      %dma_start3A_124 = tpu.memref_squeeze %dma_start3A_123 : memref<1x128x128xf32, #tpu.memory_space<vmem>> -> memref<128x128xf32, #tpu.memory_space<vmem>>
      tpu.enqueue_dma source(%dma_start3A_124 : memref<128x128xf32, #tpu.memory_space<vmem>>) target(%dma_start3A_120 : memref<128x128xf32, #tpu.memory_space<hbm>>) target_semaphore(%run_scoped3A_112 : memref<!tpu.dma_semaphore, #tpu.memory_space<semaphore_mem>>)
      %dma_wait3A_125 = arith.constant 0 : i32
      %dma_wait3A_126 = arith.constant 0 : i32
      %dma_wait3A_127 = tpu.memref_slice %arg6[%run_scoped3A_55, %dma_wait3A_125, %dma_wait3A_126] : memref<4x128x128xf32, #tpu.memory_space<vmem>> -> memref<1x128x128xf32, #tpu.memory_space<vmem>>
      %dma_wait3A_128 = tpu.memref_squeeze %dma_wait3A_127 : memref<1x128x128xf32, #tpu.memory_space<vmem>> -> memref<128x128xf32, #tpu.memory_space<vmem>>
      %dma_wait3A_129 = arith.constant 0 : i32
      %dma_wait3A_130 = tpu.memref_slice %arg4[%add3A_29, %dma_wait3A_129] : memref<16384x128xf32, #tpu.memory_space<hbm>> -> memref<128x128xf32, #tpu.memory_space<hbm>>
      %dma_wait3A_131 = arith.constant 0 : i32
      %dma_wait3A_132 = tpu.memref_slice %arg4[%add3A_29, %dma_wait3A_131] : memref<16384x128xf32, #tpu.memory_space<hbm>> -> memref<128x128xf32, #tpu.memory_space<hbm>>
      %dma_wait3A_133 = arith.constant 0 : i32
      %dma_wait3A_134 = arith.constant 0 : i32
      %dma_wait3A_135 = tpu.memref_slice %arg6[%run_scoped3A_55, %dma_wait3A_133, %dma_wait3A_134] : memref<4x128x128xf32, #tpu.memory_space<vmem>> -> memref<1x128x128xf32, #tpu.memory_space<vmem>>
      %dma_wait3A_136 = tpu.memref_squeeze %dma_wait3A_135 : memref<1x128x128xf32, #tpu.memory_space<vmem>> -> memref<128x128xf32, #tpu.memory_space<vmem>>
      tpu.wait_dma2 semaphore(%run_scoped3A_112 : memref<!tpu.dma_semaphore, #tpu.memory_space<semaphore_mem>>) src(%dma_wait3A_136 : memref<128x128xf32, #tpu.memory_space<vmem>>) dst(%dma_wait3A_132 : memref<128x128xf32, #tpu.memory_space<hbm>>)
      tpu.yield
    }) : () -> ()
    %add3A_56 = arith.constant 256 : i32
    %add3A_57 = arith.addi %mul3A_2, %add3A_56 : i32
    %run_scoped3A_58 = arith.constant 2 : i32
    "tpu.region"() ({
      %run_scoped3A_112 = tpu.sem_alloc : memref<!tpu.dma_semaphore, #tpu.memory_space<semaphore_mem>>
      %dma_start3A_113 = arith.constant 0 : i32
      %dma_start3A_114 = tpu.memref_slice %arg5[%run_scoped3A_58, %dma_start3A_113] : memref<4x128xi32, #tpu.memory_space<vmem>> -> memref<1x128xi32, #tpu.memory_space<vmem>>
      %dma_start3A_115 = tpu.memref_squeeze %dma_start3A_114 : memref<1x128xi32, #tpu.memory_space<vmem>> -> memref<128xi32, #tpu.memory_space<vmem>>
      %dma_start3A_116 = tpu.memref_slice %arg3[%add3A_57] : memref<16384xi32, #tpu.memory_space<hbm>> -> memref<128xi32, #tpu.memory_space<hbm>>
      %dma_start3A_117 = arith.constant 0 : i32
      %dma_start3A_118 = tpu.memref_slice %arg5[%run_scoped3A_58, %dma_start3A_117] : memref<4x128xi32, #tpu.memory_space<vmem>> -> memref<1x128xi32, #tpu.memory_space<vmem>>
      %dma_start3A_119 = tpu.memref_squeeze %dma_start3A_118 : memref<1x128xi32, #tpu.memory_space<vmem>> -> memref<128xi32, #tpu.memory_space<vmem>>
      %dma_start3A_120 = tpu.memref_slice %arg3[%add3A_57] : memref<16384xi32, #tpu.memory_space<hbm>> -> memref<128xi32, #tpu.memory_space<hbm>>
      tpu.enqueue_dma source(%dma_start3A_120 : memref<128xi32, #tpu.memory_space<hbm>>) target(%dma_start3A_119 : memref<128xi32, #tpu.memory_space<vmem>>) target_semaphore(%run_scoped3A_112 : memref<!tpu.dma_semaphore, #tpu.memory_space<semaphore_mem>>)
      %dma_wait3A_121 = arith.constant 0 : i32
      %dma_wait3A_122 = tpu.memref_slice %arg5[%run_scoped3A_58, %dma_wait3A_121] : memref<4x128xi32, #tpu.memory_space<vmem>> -> memref<1x128xi32, #tpu.memory_space<vmem>>
      %dma_wait3A_123 = tpu.memref_squeeze %dma_wait3A_122 : memref<1x128xi32, #tpu.memory_space<vmem>> -> memref<128xi32, #tpu.memory_space<vmem>>
      %dma_wait3A_124 = tpu.memref_slice %arg3[%add3A_57] : memref<16384xi32, #tpu.memory_space<hbm>> -> memref<128xi32, #tpu.memory_space<hbm>>
      %dma_wait3A_125 = arith.constant 0 : i32
      %dma_wait3A_126 = tpu.memref_slice %arg5[%run_scoped3A_58, %dma_wait3A_125] : memref<4x128xi32, #tpu.memory_space<vmem>> -> memref<1x128xi32, #tpu.memory_space<vmem>>
      %dma_wait3A_127 = tpu.memref_squeeze %dma_wait3A_126 : memref<1x128xi32, #tpu.memory_space<vmem>> -> memref<128xi32, #tpu.memory_space<vmem>>
      %dma_wait3A_128 = tpu.memref_slice %arg3[%add3A_57] : memref<16384xi32, #tpu.memory_space<hbm>> -> memref<128xi32, #tpu.memory_space<hbm>>
      tpu.wait_dma2 semaphore(%run_scoped3A_112 : memref<!tpu.dma_semaphore, #tpu.memory_space<semaphore_mem>>) src(%dma_wait3A_128 : memref<128xi32, #tpu.memory_space<hbm>>) dst(%dma_wait3A_127 : memref<128xi32, #tpu.memory_space<vmem>>)
      tpu.yield
    }) : () -> ()
    %dma_start3A_59 = arith.constant 2 : i32
    %dma_start3A_60 = arith.constant 2 : i32
    %dma_start3A_61 = arith.constant 0 : i32
    %dma_start3A_62 = arith.constant 0 : i32
    %dma_start3A_63 = tpu.memref_slice %arg6[%dma_start3A_60, %dma_start3A_61, %dma_start3A_62] : memref<4x128x128xf32, #tpu.memory_space<vmem>> -> memref<1x128x128xf32, #tpu.memory_space<vmem>>
    %dma_start3A_64 = tpu.memref_squeeze %dma_start3A_63 : memref<1x128x128xf32, #tpu.memory_space<vmem>> -> memref<128x128xf32, #tpu.memory_space<vmem>>
    %dma_start3A_65 = arith.constant 0 : i32
    %dma_start3A_66 = tpu.memref_slice %arg5[%dma_start3A_59, %dma_start3A_65] : memref<4x128xi32, #tpu.memory_space<vmem>> -> memref<1x128xi32, #tpu.memory_space<vmem>>
    %dma_start3A_67 = tpu.memref_squeeze %dma_start3A_66 : memref<1x128xi32, #tpu.memory_space<vmem>> -> memref<128xi32, #tpu.memory_space<vmem>>
    %dma_start3A_68 = arith.constant 0 : i32
    %dma_start3A_69 = arith.constant 0 : i32
    %dma_start3A_70 = tpu.memref_slice %arg2[%dma_start3A_68, %dma_start3A_69] : memref<8192x128xf32, #tpu.memory_space<hbm>> -> memref<8192x128xf32, #tpu.memory_space<hbm>>
    tpu.enqueue_indirect_dma source(%dma_start3A_70 : memref<8192x128xf32, #tpu.memory_space<hbm>>) target(%dma_start3A_64 : memref<128x128xf32, #tpu.memory_space<vmem>>) offsets(%dma_start3A_67 : memref<128xi32, #tpu.memory_space<vmem>>) semaphore(%arg7 : memref<!tpu.dma_semaphore, #tpu.memory_space<semaphore_mem>>)
    %dma_wait3A_71 = arith.constant 2 : i32
    %dma_wait3A_72 = arith.constant 2 : i32
    %dma_wait3A_73 = arith.constant 0 : i32
    %dma_wait3A_74 = arith.constant 0 : i32
    %dma_wait3A_75 = tpu.memref_slice %arg6[%dma_wait3A_72, %dma_wait3A_73, %dma_wait3A_74] : memref<4x128x128xf32, #tpu.memory_space<vmem>> -> memref<1x128x128xf32, #tpu.memory_space<vmem>>
    %dma_wait3A_76 = tpu.memref_squeeze %dma_wait3A_75 : memref<1x128x128xf32, #tpu.memory_space<vmem>> -> memref<128x128xf32, #tpu.memory_space<vmem>>
    %dma_wait3A_77 = arith.constant 0 : i32
    %dma_wait3A_78 = tpu.memref_slice %arg5[%dma_wait3A_71, %dma_wait3A_77] : memref<4x128xi32, #tpu.memory_space<vmem>> -> memref<1x128xi32, #tpu.memory_space<vmem>>
    %dma_wait3A_79 = tpu.memref_squeeze %dma_wait3A_78 : memref<1x128xi32, #tpu.memory_space<vmem>> -> memref<128xi32, #tpu.memory_space<vmem>>
    %dma_wait3A_80 = arith.constant 0 : i32
    %dma_wait3A_81 = arith.constant 0 : i32
    %dma_wait3A_82 = tpu.memref_slice %arg2[%dma_wait3A_80, %dma_wait3A_81] : memref<8192x128xf32, #tpu.memory_space<hbm>> -> memref<8192x128xf32, #tpu.memory_space<hbm>>
    tpu.wait_indirect_dma semaphore(%arg7 : memref<!tpu.dma_semaphore, #tpu.memory_space<semaphore_mem>>) src(%dma_wait3A_82 : memref<8192x128xf32, #tpu.memory_space<hbm>>) dst(%dma_wait3A_76 : memref<128x128xf32, #tpu.memory_space<vmem>>)
    %run_scoped3A_83 = arith.constant 2 : i32
    "tpu.region"() ({
      %run_scoped3A_112 = tpu.sem_alloc : memref<!tpu.dma_semaphore, #tpu.memory_space<semaphore_mem>>
      %dma_start3A_113 = arith.constant 0 : i32
      %dma_start3A_114 = arith.constant 0 : i32
      %dma_start3A_115 = tpu.memref_slice %arg6[%run_scoped3A_83, %dma_start3A_113, %dma_start3A_114] : memref<4x128x128xf32, #tpu.memory_space<vmem>> -> memref<1x128x128xf32, #tpu.memory_space<vmem>>
      %dma_start3A_116 = tpu.memref_squeeze %dma_start3A_115 : memref<1x128x128xf32, #tpu.memory_space<vmem>> -> memref<128x128xf32, #tpu.memory_space<vmem>>
      %dma_start3A_117 = arith.constant 0 : i32
      %dma_start3A_118 = tpu.memref_slice %arg4[%add3A_57, %dma_start3A_117] : memref<16384x128xf32, #tpu.memory_space<hbm>> -> memref<128x128xf32, #tpu.memory_space<hbm>>
      %dma_start3A_119 = arith.constant 0 : i32
      %dma_start3A_120 = tpu.memref_slice %arg4[%add3A_57, %dma_start3A_119] : memref<16384x128xf32, #tpu.memory_space<hbm>> -> memref<128x128xf32, #tpu.memory_space<hbm>>
      %dma_start3A_121 = arith.constant 0 : i32
      %dma_start3A_122 = arith.constant 0 : i32
      %dma_start3A_123 = tpu.memref_slice %arg6[%run_scoped3A_83, %dma_start3A_121, %dma_start3A_122] : memref<4x128x128xf32, #tpu.memory_space<vmem>> -> memref<1x128x128xf32, #tpu.memory_space<vmem>>
      %dma_start3A_124 = tpu.memref_squeeze %dma_start3A_123 : memref<1x128x128xf32, #tpu.memory_space<vmem>> -> memref<128x128xf32, #tpu.memory_space<vmem>>
      tpu.enqueue_dma source(%dma_start3A_124 : memref<128x128xf32, #tpu.memory_space<vmem>>) target(%dma_start3A_120 : memref<128x128xf32, #tpu.memory_space<hbm>>) target_semaphore(%run_scoped3A_112 : memref<!tpu.dma_semaphore, #tpu.memory_space<semaphore_mem>>)
      %dma_wait3A_125 = arith.constant 0 : i32
      %dma_wait3A_126 = arith.constant 0 : i32
      %dma_wait3A_127 = tpu.memref_slice %arg6[%run_scoped3A_83, %dma_wait3A_125, %dma_wait3A_126] : memref<4x128x128xf32, #tpu.memory_space<vmem>> -> memref<1x128x128xf32, #tpu.memory_space<vmem>>
      %dma_wait3A_128 = tpu.memref_squeeze %dma_wait3A_127 : memref<1x128x128xf32, #tpu.memory_space<vmem>> -> memref<128x128xf32, #tpu.memory_space<vmem>>
      %dma_wait3A_129 = arith.constant 0 : i32
      %dma_wait3A_130 = tpu.memref_slice %arg4[%add3A_57, %dma_wait3A_129] : memref<16384x128xf32, #tpu.memory_space<hbm>> -> memref<128x128xf32, #tpu.memory_space<hbm>>
      %dma_wait3A_131 = arith.constant 0 : i32
      %dma_wait3A_132 = tpu.memref_slice %arg4[%add3A_57, %dma_wait3A_131] : memref<16384x128xf32, #tpu.memory_space<hbm>> -> memref<128x128xf32, #tpu.memory_space<hbm>>
      %dma_wait3A_133 = arith.constant 0 : i32
      %dma_wait3A_134 = arith.constant 0 : i32
      %dma_wait3A_135 = tpu.memref_slice %arg6[%run_scoped3A_83, %dma_wait3A_133, %dma_wait3A_134] : memref<4x128x128xf32, #tpu.memory_space<vmem>> -> memref<1x128x128xf32, #tpu.memory_space<vmem>>
      %dma_wait3A_136 = tpu.memref_squeeze %dma_wait3A_135 : memref<1x128x128xf32, #tpu.memory_space<vmem>> -> memref<128x128xf32, #tpu.memory_space<vmem>>
      tpu.wait_dma2 semaphore(%run_scoped3A_112 : memref<!tpu.dma_semaphore, #tpu.memory_space<semaphore_mem>>) src(%dma_wait3A_136 : memref<128x128xf32, #tpu.memory_space<vmem>>) dst(%dma_wait3A_132 : memref<128x128xf32, #tpu.memory_space<hbm>>)
      tpu.yield
    }) : () -> ()
    %add3A_84 = arith.constant 384 : i32
    %add3A_85 = arith.addi %mul3A_2, %add3A_84 : i32
    %run_scoped3A_86 = arith.constant 3 : i32
    "tpu.region"() ({
      %run_scoped3A_112 = tpu.sem_alloc : memref<!tpu.dma_semaphore, #tpu.memory_space<semaphore_mem>>
      %dma_start3A_113 = arith.constant 0 : i32
      %dma_start3A_114 = tpu.memref_slice %arg5[%run_scoped3A_86, %dma_start3A_113] : memref<4x128xi32, #tpu.memory_space<vmem>> -> memref<1x128xi32, #tpu.memory_space<vmem>>
      %dma_start3A_115 = tpu.memref_squeeze %dma_start3A_114 : memref<1x128xi32, #tpu.memory_space<vmem>> -> memref<128xi32, #tpu.memory_space<vmem>>
      %dma_start3A_116 = tpu.memref_slice %arg3[%add3A_85] : memref<16384xi32, #tpu.memory_space<hbm>> -> memref<128xi32, #tpu.memory_space<hbm>>
      %dma_start3A_117 = arith.constant 0 : i32
      %dma_start3A_118 = tpu.memref_slice %arg5[%run_scoped3A_86, %dma_start3A_117] : memref<4x128xi32, #tpu.memory_space<vmem>> -> memref<1x128xi32, #tpu.memory_space<vmem>>
      %dma_start3A_119 = tpu.memref_squeeze %dma_start3A_118 : memref<1x128xi32, #tpu.memory_space<vmem>> -> memref<128xi32, #tpu.memory_space<vmem>>
      %dma_start3A_120 = tpu.memref_slice %arg3[%add3A_85] : memref<16384xi32, #tpu.memory_space<hbm>> -> memref<128xi32, #tpu.memory_space<hbm>>
      tpu.enqueue_dma source(%dma_start3A_120 : memref<128xi32, #tpu.memory_space<hbm>>) target(%dma_start3A_119 : memref<128xi32, #tpu.memory_space<vmem>>) target_semaphore(%run_scoped3A_112 : memref<!tpu.dma_semaphore, #tpu.memory_space<semaphore_mem>>)
      %dma_wait3A_121 = arith.constant 0 : i32
      %dma_wait3A_122 = tpu.memref_slice %arg5[%run_scoped3A_86, %dma_wait3A_121] : memref<4x128xi32, #tpu.memory_space<vmem>> -> memref<1x128xi32, #tpu.memory_space<vmem>>
      %dma_wait3A_123 = tpu.memref_squeeze %dma_wait3A_122 : memref<1x128xi32, #tpu.memory_space<vmem>> -> memref<128xi32, #tpu.memory_space<vmem>>
      %dma_wait3A_124 = tpu.memref_slice %arg3[%add3A_85] : memref<16384xi32, #tpu.memory_space<hbm>> -> memref<128xi32, #tpu.memory_space<hbm>>
      %dma_wait3A_125 = arith.constant 0 : i32
      %dma_wait3A_126 = tpu.memref_slice %arg5[%run_scoped3A_86, %dma_wait3A_125] : memref<4x128xi32, #tpu.memory_space<vmem>> -> memref<1x128xi32, #tpu.memory_space<vmem>>
      %dma_wait3A_127 = tpu.memref_squeeze %dma_wait3A_126 : memref<1x128xi32, #tpu.memory_space<vmem>> -> memref<128xi32, #tpu.memory_space<vmem>>
      %dma_wait3A_128 = tpu.memref_slice %arg3[%add3A_85] : memref<16384xi32, #tpu.memory_space<hbm>> -> memref<128xi32, #tpu.memory_space<hbm>>
      tpu.wait_dma2 semaphore(%run_scoped3A_112 : memref<!tpu.dma_semaphore, #tpu.memory_space<semaphore_mem>>) src(%dma_wait3A_128 : memref<128xi32, #tpu.memory_space<hbm>>) dst(%dma_wait3A_127 : memref<128xi32, #tpu.memory_space<vmem>>)
      tpu.yield
    }) : () -> ()
    %dma_start3A_87 = arith.constant 3 : i32
    %dma_start3A_88 = arith.constant 3 : i32
    %dma_start3A_89 = arith.constant 0 : i32
    %dma_start3A_90 = arith.constant 0 : i32
    %dma_start3A_91 = tpu.memref_slice %arg6[%dma_start3A_88, %dma_start3A_89, %dma_start3A_90] : memref<4x128x128xf32, #tpu.memory_space<vmem>> -> memref<1x128x128xf32, #tpu.memory_space<vmem>>
    %dma_start3A_92 = tpu.memref_squeeze %dma_start3A_91 : memref<1x128x128xf32, #tpu.memory_space<vmem>> -> memref<128x128xf32, #tpu.memory_space<vmem>>
    %dma_start3A_93 = arith.constant 0 : i32
    %dma_start3A_94 = tpu.memref_slice %arg5[%dma_start3A_87, %dma_start3A_93] : memref<4x128xi32, #tpu.memory_space<vmem>> -> memref<1x128xi32, #tpu.memory_space<vmem>>
    %dma_start3A_95 = tpu.memref_squeeze %dma_start3A_94 : memref<1x128xi32, #tpu.memory_space<vmem>> -> memref<128xi32, #tpu.memory_space<vmem>>
    %dma_start3A_96 = arith.constant 0 : i32
    %dma_start3A_97 = arith.constant 0 : i32
    %dma_start3A_98 = tpu.memref_slice %arg2[%dma_start3A_96, %dma_start3A_97] : memref<8192x128xf32, #tpu.memory_space<hbm>> -> memref<8192x128xf32, #tpu.memory_space<hbm>>
    tpu.enqueue_indirect_dma source(%dma_start3A_98 : memref<8192x128xf32, #tpu.memory_space<hbm>>) target(%dma_start3A_92 : memref<128x128xf32, #tpu.memory_space<vmem>>) offsets(%dma_start3A_95 : memref<128xi32, #tpu.memory_space<vmem>>) semaphore(%arg7 : memref<!tpu.dma_semaphore, #tpu.memory_space<semaphore_mem>>)
    %dma_wait3A_99 = arith.constant 3 : i32
    %dma_wait3A_100 = arith.constant 3 : i32
    %dma_wait3A_101 = arith.constant 0 : i32
    %dma_wait3A_102 = arith.constant 0 : i32
    %dma_wait3A_103 = tpu.memref_slice %arg6[%dma_wait3A_100, %dma_wait3A_101, %dma_wait3A_102] : memref<4x128x128xf32, #tpu.memory_space<vmem>> -> memref<1x128x128xf32, #tpu.memory_space<vmem>>
    %dma_wait3A_104 = tpu.memref_squeeze %dma_wait3A_103 : memref<1x128x128xf32, #tpu.memory_space<vmem>> -> memref<128x128xf32, #tpu.memory_space<vmem>>
    %dma_wait3A_105 = arith.constant 0 : i32
    %dma_wait3A_106 = tpu.memref_slice %arg5[%dma_wait3A_99, %dma_wait3A_105] : memref<4x128xi32, #tpu.memory_space<vmem>> -> memref<1x128xi32, #tpu.memory_space<vmem>>
    %dma_wait3A_107 = tpu.memref_squeeze %dma_wait3A_106 : memref<1x128xi32, #tpu.memory_space<vmem>> -> memref<128xi32, #tpu.memory_space<vmem>>
    %dma_wait3A_108 = arith.constant 0 : i32
    %dma_wait3A_109 = arith.constant 0 : i32
    %dma_wait3A_110 = tpu.memref_slice %arg2[%dma_wait3A_108, %dma_wait3A_109] : memref<8192x128xf32, #tpu.memory_space<hbm>> -> memref<8192x128xf32, #tpu.memory_space<hbm>>
    tpu.wait_indirect_dma semaphore(%arg7 : memref<!tpu.dma_semaphore, #tpu.memory_space<semaphore_mem>>) src(%dma_wait3A_110 : memref<8192x128xf32, #tpu.memory_space<hbm>>) dst(%dma_wait3A_104 : memref<128x128xf32, #tpu.memory_space<vmem>>)
    %run_scoped3A_111 = arith.constant 3 : i32
    "tpu.region"() ({
      %run_scoped3A_112 = tpu.sem_alloc : memref<!tpu.dma_semaphore, #tpu.memory_space<semaphore_mem>>
      %dma_start3A_113 = arith.constant 0 : i32
      %dma_start3A_114 = arith.constant 0 : i32
      %dma_start3A_115 = tpu.memref_slice %arg6[%run_scoped3A_111, %dma_start3A_113, %dma_start3A_114] : memref<4x128x128xf32, #tpu.memory_space<vmem>> -> memref<1x128x128xf32, #tpu.memory_space<vmem>>
      %dma_start3A_116 = tpu.memref_squeeze %dma_start3A_115 : memref<1x128x128xf32, #tpu.memory_space<vmem>> -> memref<128x128xf32, #tpu.memory_space<vmem>>
      %dma_start3A_117 = arith.constant 0 : i32
      %dma_start3A_118 = tpu.memref_slice %arg4[%add3A_85, %dma_start3A_117] : memref<16384x128xf32, #tpu.memory_space<hbm>> -> memref<128x128xf32, #tpu.memory_space<hbm>>
      %dma_start3A_119 = arith.constant 0 : i32
      %dma_start3A_120 = tpu.memref_slice %arg4[%add3A_85, %dma_start3A_119] : memref<16384x128xf32, #tpu.memory_space<hbm>> -> memref<128x128xf32, #tpu.memory_space<hbm>>
      %dma_start3A_121 = arith.constant 0 : i32
      %dma_start3A_122 = arith.constant 0 : i32
      %dma_start3A_123 = tpu.memref_slice %arg6[%run_scoped3A_111, %dma_start3A_121, %dma_start3A_122] : memref<4x128x128xf32, #tpu.memory_space<vmem>> -> memref<1x128x128xf32, #tpu.memory_space<vmem>>
      %dma_start3A_124 = tpu.memref_squeeze %dma_start3A_123 : memref<1x128x128xf32, #tpu.memory_space<vmem>> -> memref<128x128xf32, #tpu.memory_space<vmem>>
      tpu.enqueue_dma source(%dma_start3A_124 : memref<128x128xf32, #tpu.memory_space<vmem>>) target(%dma_start3A_120 : memref<128x128xf32, #tpu.memory_space<hbm>>) target_semaphore(%run_scoped3A_112 : memref<!tpu.dma_semaphore, #tpu.memory_space<semaphore_mem>>)
      %dma_wait3A_125 = arith.constant 0 : i32
      %dma_wait3A_126 = arith.constant 0 : i32
      %dma_wait3A_127 = tpu.memref_slice %arg6[%run_scoped3A_111, %dma_wait3A_125, %dma_wait3A_126] : memref<4x128x128xf32, #tpu.memory_space<vmem>> -> memref<1x128x128xf32, #tpu.memory_space<vmem>>
      %dma_wait3A_128 = tpu.memref_squeeze %dma_wait3A_127 : memref<1x128x128xf32, #tpu.memory_space<vmem>> -> memref<128x128xf32, #tpu.memory_space<vmem>>
      %dma_wait3A_129 = arith.constant 0 : i32
      %dma_wait3A_130 = tpu.memref_slice %arg4[%add3A_85, %dma_wait3A_129] : memref<16384x128xf32, #tpu.memory_space<hbm>> -> memref<128x128xf32, #tpu.memory_space<hbm>>
      %dma_wait3A_131 = arith.constant 0 : i32
      %dma_wait3A_132 = tpu.memref_slice %arg4[%add3A_85, %dma_wait3A_131] : memref<16384x128xf32, #tpu.memory_space<hbm>> -> memref<128x128xf32, #tpu.memory_space<hbm>>
      %dma_wait3A_133 = arith.constant 0 : i32
      %dma_wait3A_134 = arith.constant 0 : i32
      %dma_wait3A_135 = tpu.memref_slice %arg6[%run_scoped3A_111, %dma_wait3A_133, %dma_wait3A_134] : memref<4x128x128xf32, #tpu.memory_space<vmem>> -> memref<1x128x128xf32, #tpu.memory_space<vmem>>
      %dma_wait3A_136 = tpu.memref_squeeze %dma_wait3A_135 : memref<1x128x128xf32, #tpu.memory_space<vmem>> -> memref<128x128xf32, #tpu.memory_space<vmem>>
      tpu.wait_dma2 semaphore(%run_scoped3A_112 : memref<!tpu.dma_semaphore, #tpu.memory_space<semaphore_mem>>) src(%dma_wait3A_136 : memref<128x128xf32, #tpu.memory_space<vmem>>) dst(%dma_wait3A_132 : memref<128x128xf32, #tpu.memory_space<hbm>>)
      tpu.yield
    }) : () -> ()
    return
  }
}

module attributes {stable_mosaic.version = 14 : i64} {
  func.func @_vq_body(%arg0: i32, %arg1: memref<256x32xf32, #tpu.memory_space<vmem>>, %arg2: memref<256x1xf32, #tpu.memory_space<vmem>>, %arg3: memref<32x8192xf32, #tpu.memory_space<vmem>>, %arg4: memref<1x8192xf32, #tpu.memory_space<vmem>>, %arg5: memref<1x1x256xi32, #tpu.memory_space<vmem>>, %arg6: memref<1x1xf32, #tpu.memory_space<vmem>>) attributes {dimension_semantics = [#tpu.dimension_semantics<arbitrary>], iteration_bounds = array<i64: 64>, scalar_prefetch = 0 : i64, scratch_operands = 0 : i64, tpu.core_type = #tpu.core_type<tc>, window_params = [{transform_indices = @transform_0, window_bounds = array<i64: 256, 32>}, {transform_indices = @transform_1, window_bounds = array<i64: 256, 1>}, {pipeline_mode = #tpu.pipeline_mode<synchronous>, transform_indices = @transform_2, window_bounds = array<i64: 32, 8192>}, {pipeline_mode = #tpu.pipeline_mode<synchronous>, transform_indices = @transform_3, window_bounds = array<i64: 1, 8192>}, {transform_indices = @transform_4, window_bounds = array<i64: 1, 1, 256>}, {pipeline_mode = #tpu.pipeline_mode<synchronous>, transform_indices = @transform_5, window_bounds = array<i64: 1, 1>}]} {
    %get3A = arith.constant 0 : index
    %get3A_0 = arith.constant 0 : index
    %get3A_1 = vector.load %arg1[%get3A, %get3A_0] : memref<256x32xf32, #tpu.memory_space<vmem>>, vector<256x32xf32>
    %convert_element_type3A = arith.truncf %get3A_1 : vector<256x32xf32> to vector<256x32xbf16>
    %get3A_2 = arith.constant 0 : index
    %get3A_3 = arith.constant 0 : index
    %get3A_4 = vector.load %arg3[%get3A_2, %get3A_3] : memref<32x8192xf32, #tpu.memory_space<vmem>>, vector<32x8192xf32>
    %convert_element_type3A_5 = arith.truncf %get3A_4 : vector<32x8192xf32> to vector<32x8192xbf16>
    %dot_general3A = arith.constant dense<0.000000e+00> : vector<256x8192xf32>
    %dot_general3A_6 = tpu.matmul %convert_element_type3A, %convert_element_type3A_5, %dot_general3A {dimension_numbers = #tpu.dot_dimension_numbers<[1], [0], [0], [1], [0, 0, 1, 1], [], []>, transpose_lhs_hint = false} : vector<256x32xbf16>, vector<32x8192xbf16>, vector<256x8192xf32> -> vector<256x8192xf32>
    %get3A_7 = arith.constant 0 : index
    %get3A_8 = arith.constant 0 : index
    %get3A_9 = vector.load %arg2[%get3A_7, %get3A_8] : memref<256x1xf32, #tpu.memory_space<vmem>>, vector<256x1xf32>
    %mul3A = arith.constant 2.000000e+00 : f32
    %mul3A_10 = vector.broadcast %mul3A : f32 to vector<256x8192xf32>
    %mul3A_11 = arith.mulf %mul3A_10, %dot_general3A_6 : vector<256x8192xf32>
    %sub3A = vector.broadcast %get3A_9 : vector<256x1xf32> to vector<256x8192xf32>
    %sub3A_12 = arith.subf %sub3A, %mul3A_11 : vector<256x8192xf32>
    %get3A_13 = arith.constant 0 : index
    %get3A_14 = arith.constant 0 : index
    %get3A_15 = vector.load %arg4[%get3A_13, %get3A_14] : memref<1x8192xf32, #tpu.memory_space<vmem>>, vector<1x8192xf32>
    %add3A = vector.broadcast %get3A_15 : vector<1x8192xf32> to vector<256x8192xf32>
    %add3A_16 = arith.addf %sub3A_12, %add3A : vector<256x8192xf32>
    %iota3A = tpu.iota {dimensions = array<i32: 1>} : vector<256x4096xi32>
    %broadcast_in_dim3A = arith.constant 0x7F800000 : f32
    %broadcast_in_dim3A_17 = vector.broadcast %broadcast_in_dim3A : f32 to vector<256x1xf32>
    %broadcast_in_dim3A_18 = arith.constant 0x7F800000 : f32
    %broadcast_in_dim3A_19 = vector.broadcast %broadcast_in_dim3A_18 : f32 to vector<256x1xf32>
    %broadcast_in_dim3A_20 = arith.constant 0 : i32
    %broadcast_in_dim3A_21 = vector.broadcast %broadcast_in_dim3A_20 : i32 to vector<256x1xi32>
    %slice3A = vector.extract_strided_slice %add3A_16 {offsets = [0, 0], sizes = [256, 4096], strides = [1, 1]} : vector<256x8192xf32> to vector<256x4096xf32>
    %reduce_min3A = arith.constant dense<0x7F800000> : vector<256xf32>
    %reduce_min3A_22 = vector.multi_reduction <minimumf>, %slice3A, %reduce_min3A [1] : vector<256x4096xf32> to vector<256xf32>
    %broadcast_in_dim3A_23 = vector.shape_cast %reduce_min3A_22 : vector<256xf32> to vector<256x1xf32>
    %eq3A = vector.broadcast %broadcast_in_dim3A_23 : vector<256x1xf32> to vector<256x4096xf32>
    %eq3A_24 = arith.cmpf oeq, %slice3A, %eq3A : vector<256x4096xf32>
    %jit3A = arith.constant 4096 : i32
    %broadcast_in_dim3A_25 = vector.broadcast %jit3A : i32 to vector<256x4096xi32>
    %select_n3A = arith.select %eq3A_24, %iota3A, %broadcast_in_dim3A_25 : vector<256x4096xi1>, vector<256x4096xi32>
    %reduce_min3A_26 = arith.constant dense<2147483647> : vector<256xi32>
    %reduce_min3A_27 = vector.multi_reduction <minsi>, %select_n3A, %reduce_min3A_26 [1] : vector<256x4096xi32> to vector<256xi32>
    %broadcast_in_dim3A_28 = vector.shape_cast %reduce_min3A_27 : vector<256xi32> to vector<256x1xi32>
    %add3A_29 = arith.constant 0 : i32
    %add3A_30 = vector.broadcast %add3A_29 : i32 to vector<256x1xi32>
    %add3A_31 = arith.addi %broadcast_in_dim3A_28, %add3A_30 : vector<256x1xi32>
    %lt3A = arith.cmpf olt, %broadcast_in_dim3A_23, %broadcast_in_dim3A_17 : vector<256x1xf32>
    %convert_element_type3A_32 = arith.truncf %broadcast_in_dim3A_23 : vector<256x1xf32> to vector<256x1xbf16>
    %convert_element_type3A_33 = arith.extf %convert_element_type3A_32 : vector<256x1xbf16> to vector<256x1xf32>
    %select_n3A_34 = arith.select %lt3A, %convert_element_type3A_33, %broadcast_in_dim3A_17 : vector<256x1xi1>, vector<256x1xf32>
    %select_n3A_35 = arith.select %lt3A, %broadcast_in_dim3A_23, %broadcast_in_dim3A_19 : vector<256x1xi1>, vector<256x1xf32>
    %select_n3A_36 = arith.select %lt3A, %add3A_31, %broadcast_in_dim3A_21 : vector<256x1xi1>, vector<256x1xi32>
    %slice3A_37 = vector.extract_strided_slice %add3A_16 {offsets = [0, 4096], sizes = [256, 4096], strides = [1, 1]} : vector<256x8192xf32> to vector<256x4096xf32>
    %reduce_min3A_38 = arith.constant dense<0x7F800000> : vector<256xf32>
    %reduce_min3A_39 = vector.multi_reduction <minimumf>, %slice3A_37, %reduce_min3A_38 [1] : vector<256x4096xf32> to vector<256xf32>
    %broadcast_in_dim3A_40 = vector.shape_cast %reduce_min3A_39 : vector<256xf32> to vector<256x1xf32>
    %eq3A_41 = vector.broadcast %broadcast_in_dim3A_40 : vector<256x1xf32> to vector<256x4096xf32>
    %eq3A_42 = arith.cmpf oeq, %slice3A_37, %eq3A_41 : vector<256x4096xf32>
    %jit3A_43 = arith.constant 4096 : i32
    %broadcast_in_dim3A_44 = vector.broadcast %jit3A_43 : i32 to vector<256x4096xi32>
    %select_n3A_45 = arith.select %eq3A_42, %iota3A, %broadcast_in_dim3A_44 : vector<256x4096xi1>, vector<256x4096xi32>
    %reduce_min3A_46 = arith.constant dense<2147483647> : vector<256xi32>
    %reduce_min3A_47 = vector.multi_reduction <minsi>, %select_n3A_45, %reduce_min3A_46 [1] : vector<256x4096xi32> to vector<256xi32>
    %broadcast_in_dim3A_48 = vector.shape_cast %reduce_min3A_47 : vector<256xi32> to vector<256x1xi32>
    %add3A_49 = arith.constant 4096 : i32
    %add3A_50 = vector.broadcast %add3A_49 : i32 to vector<256x1xi32>
    %add3A_51 = arith.addi %broadcast_in_dim3A_48, %add3A_50 : vector<256x1xi32>
    %lt3A_52 = arith.cmpf olt, %broadcast_in_dim3A_40, %select_n3A_34 : vector<256x1xf32>
    %select_n3A_53 = arith.select %lt3A_52, %broadcast_in_dim3A_40, %select_n3A_35 : vector<256x1xi1>, vector<256x1xf32>
    %select_n3A_54 = arith.select %lt3A_52, %add3A_51, %select_n3A_36 : vector<256x1xi1>, vector<256x1xi32>
    %squeeze3A = vector.shape_cast %select_n3A_54 : vector<256x1xi32> to vector<256xi32>
    %swap3A = arith.constant 0 : index
    %swap3A_55 = arith.constant 0 : index
    %swap3A_56 = arith.constant 0 : index
    %swap3A_57 = vector.load %arg5[%swap3A, %swap3A_55, %swap3A_56] : memref<1x1x256xi32, #tpu.memory_space<vmem>>, vector<1x1x256xi32>
    %swap3A_58 = vector.shape_cast %swap3A_57 : vector<1x1x256xi32> to vector<256xi32>
    %swap3A_59 = vector.shape_cast %squeeze3A : vector<256xi32> to vector<1x1x256xi32>
    tpu.vector_store %arg5[%swap3A, %swap3A_55, %swap3A_56], %swap3A_59 {strides = array<i32>} : memref<1x1x256xi32, #tpu.memory_space<vmem>>, vector<1x1x256xi32>,
    %eq3A_60 = arith.constant 0 : i32
    %eq3A_61 = arith.cmpi eq, %arg0, %eq3A_60 : i32
    %convert_element_type3A_62 = arith.extui %eq3A_61 : i1 to i32
    %cond3A = arith.constant 0 : i32
    %cond3A_63 = arith.cmpi ne, %convert_element_type3A_62, %cond3A : i32
    scf.if %cond3A_63 {
      %broadcast_in_dim3A_75 = arith.constant 0.000000e+00 : f32
      %broadcast_in_dim3A_76 = vector.broadcast %broadcast_in_dim3A_75 : f32 to vector<1x1xf32>
      %swap3A_77 = arith.constant 0 : index
      %swap3A_78 = arith.constant 0 : index
      %swap3A_79 = vector.load %arg6[%swap3A_77, %swap3A_78] : memref<1x1xf32, #tpu.memory_space<vmem>>, vector<1x1xf32>
      tpu.vector_store %arg6[%swap3A_77, %swap3A_78], %broadcast_in_dim3A_76 {strides = array<i32>} : memref<1x1xf32, #tpu.memory_space<vmem>>, vector<1x1xf32>,
    } else {
    }
    %get3A_64 = arith.constant 0 : index
    %get3A_65 = arith.constant 0 : index
    %get3A_66 = vector.load %arg6[%get3A_64, %get3A_65] : memref<1x1xf32, #tpu.memory_space<vmem>>, vector<1x1xf32>
    %reduce_sum3A = vector.shape_cast %select_n3A_53 : vector<256x1xf32> to vector<1x256x1xf32>
    %reduce_sum3A_67 = arith.constant dense<0.000000e+00> : vector<1xf32>
    %reduce_sum3A_68 = vector.multi_reduction <add>, %reduce_sum3A, %reduce_sum3A_67 [1, 2] : vector<1x256x1xf32> to vector<1xf32>
    %reduce_sum3A_69 = vector.shape_cast %reduce_sum3A_68 : vector<1xf32> to vector<1x1x1xf32>
    %reduce_sum3A_70 = vector.extract %reduce_sum3A_69[0, 0, 0] : f32 from vector<1x1x1xf32>
    %reshape3A = vector.broadcast %reduce_sum3A_70 : f32 to vector<1x1xf32>
    %add3A_71 = arith.addf %get3A_66, %reshape3A : vector<1x1xf32>
    %swap3A_72 = arith.constant 0 : index
    %swap3A_73 = arith.constant 0 : index
    %swap3A_74 = vector.load %arg6[%swap3A_72, %swap3A_73] : memref<1x1xf32, #tpu.memory_space<vmem>>, vector<1x1xf32>
    tpu.vector_store %arg6[%swap3A_72, %swap3A_73], %add3A_71 {strides = array<i32>} : memref<1x1xf32, #tpu.memory_space<vmem>>, vector<1x1xf32>,
    return
  }
  func.func @transform_0(%arg0: i32) -> (i32, i32) {
    %c0_i32 = arith.constant 0 : i32
    %c0_i32_0 = arith.constant 0 : i32
    return %arg0, %c0_i32 : i32, i32
  }
  func.func @transform_1(%arg0: i32) -> (i32, i32) {
    %c0_i32 = arith.constant 0 : i32
    %c0_i32_0 = arith.constant 0 : i32
    return %arg0, %c0_i32 : i32, i32
  }
  func.func @transform_2(%arg0: i32) -> (i32, i32) {
    %c0_i32 = arith.constant 0 : i32
    %c0_i32_0 = arith.constant 0 : i32
    %c0_i32_1 = arith.constant 0 : i32
    return %c0_i32, %c0_i32_0 : i32, i32
  }
  func.func @transform_3(%arg0: i32) -> (i32, i32) {
    %c0_i32 = arith.constant 0 : i32
    %c0_i32_0 = arith.constant 0 : i32
    %c0_i32_1 = arith.constant 0 : i32
    return %c0_i32, %c0_i32_0 : i32, i32
  }
  func.func @transform_4(%arg0: i32) -> (i32, i32, i32) {
    %c0_i32 = arith.constant 0 : i32
    %c0_i32_0 = arith.constant 0 : i32
    %c0_i32_1 = arith.constant 0 : i32
    return %arg0, %c0_i32, %c0_i32_0 : i32, i32, i32
  }
  func.func @transform_5(%arg0: i32) -> (i32, i32) {
    %c0_i32 = arith.constant 0 : i32
    %c0_i32_0 = arith.constant 0 : i32
    %c0_i32_1 = arith.constant 0 : i32
    return %c0_i32, %c0_i32_0 : i32, i32
  }
}

</mosaic_0001>

<sc_bundles>
// kernel: kernel.4.cloned.1.call-start
scs
__scs_entry_jumppad:
0x0: {  	(pc) =	sbr.rel $0x88, $3  }
0x1: {  	(tag) =	ssettag $0x0;
	lr =	simm.s32 $0x1  }
0x2: {  	[smem:$0x3F9F] =	sst lr;
	_ =	strace $0xD0000000  }
0x3: {  	_ = 	snop  }
0x4: {  	_ = 	snop  }
0x5: {  	_ = 	snop  }
0x6: {  	_ = 	snop  }
0x7: {  	_ = 	snop  }
__scs_overlays_trampoline_lowered:
0x8: {  	[smem:$0x3FAE] =	sst s0  }
0x9: {  	[smem:$0x3FAF] =	sst s1  }
0xa: {  	[smem:$0x3FB0] =	sst s2  }
0xb: {  	[smem:$0x3FB1] =	sst s3  }
0xc: {  	[smem:$0x3FB2] =	sst s4  }
0xd: {  	[smem:$0x3FB3] =	sst s5  }
0xe: {  	[smem:$0x3FB4] =	sst s6  }
0xf: {  	[smem:$0x3FB5] =	sst s7  }
0x10: {  	[smem:$0x3FB6] =	sst s8  }
0x11: {  	[smem:$0x3FB7] =	sst s9;
	s0 =	simm.s32 @!p0 $0x0  }
0x12: {  	s1 =	sld [smem:$0x3F9D];
	s0 =	simm.s32 @p0 $0x1  }
0x13: {  	[smem:$0x3FB8] =	sst s0;
	s0 =	simm.s32 @!p1 $0x0  }
0x14: {  	s2 =	sld [smem:$0x3F9C];
	s0 =	simm.s32 @p1 $0x1  }
0x15: {  	[smem:$0x3FB9] =	sst s0;
	s0 =	simm.s32 @!p2 $0x0  }
0x16: {  	s3 =	sld [smem:$0x3FDB];
	s0 =	simm.s32 @p2 $0x1  }
0x17: {  	s4 =	simm.s32 $0x1BF5;
	[smem:$0x3FBB] =	sst s0  }
0x18: {  	s0 =	sld [smem:$0x3F9E];
	_ =	swait.ge [sflag:s4], $0x0  }
0x19: {  	s7 =	sld [smem:$0x3F9F]  }
0x1a: {  	s8 =	sadd.s32 $0xFFFFE003, lr  }
0x1b: {  	s9 =	sadd.s32 $0xFFFFFEF7, lr;
	s5 =	simm.s32 $0xFFFFFFFF;
	p2 =	slt.u32 s8, $0xFFFFF086  }
0x1c: {  	p1 =	slt.u32 s9, $0xF7A;
	s5 =	simm.s32 @!p2 $0x0  }
0x1d: {  	s5 =	simm.s32 @p1 $0x1;
	p0 =	seq.s32 s7, s2  }
0x1e: {  	s7 =	smul.u32 @!p0 $0xF7A, s2;
	p2 =	seq.s32 @!p0 s5, $0x0  }
0x1f: {  	s9 =	smul.u32 $0xF7A, s1;
	s8 =	simm.s32 @!p0 $0x1BF5;
	p2 =	por !p2, p0  }
0x20: {  	[sflag:s8] =	ssyncset.s32 @!p0 $0xFFFFF086;
	s6 =	sadd.s32 @!p0 s3, s7;
	s7 =	simm.s32 @!p0 $0x108  }
0x21: {  	s3 =	sadd.s32 s3, s9;
	s6 =	sadd.s32 @!p0 $0x88, s6;
	s7 =	simm.s32 @p2 $0x1082  }
0x22: {  	[simem:s7], [sflag:s8] =	dma.local @!p0 [hbm:s6], $0xF7A  }
0x23: {  	s9 =	sor.u32 $0xD0000000, s2;
	s6 =	simm.s32 $0x108;
	_ =	swait.ge @!p0 [sflag:s8], $0x0  }
0x24: {  	s3 =	sadd.s32 $0x88, s3;
	s6 =	simm.s32 @!p1 $0x1082;
	[sflag:s4] =	ssyncset.s32 $0xFFFFF086  }
0x25: {  	[simem:s6], [sflag:s4] =	dma.local [hbm:s3], $0xF7A  }
0x26: {  	[smem:$0x3F9F] =	sst s1;
	(tag) =	ssettag s2;
	_ =	strace s9  }
0x27: {  	s1 =	sld [smem:$0x3FAF]  }
0x28: {  	s2 =	sld [smem:$0x3FB0]  }
0x29: {  	s4 =	sld [smem:$0x3FB2]  }
0x2a: {  	p0 =	seq.s32 s5, $0x0;
	s5 =	sld [smem:$0x3FB3]  }
0x2b: {  	s6 =	sld [smem:$0x3FB4]  }
0x2c: {  	s7 =	sld [smem:$0x3FB5]  }
0x2d: {  	s3 =	simm.s32 $0x108;
	s8 =	sld [smem:$0x3FB6]  }
0x2e: {  	s3 =	simm.s32 @!p0 $0x1082;
	s9 =	sld [smem:$0x3FB7]  }
0x2f: {  	lr =	sadd.s32 s0, s3;
	s0 =	sld [smem:$0x3FAE]  }
0x30: {  	s3 =	sld [smem:$0x3FB1]  }
0x31: {  	[smem:$0x3FBA] =	sst s10  }
0x32: {  	s10 =	sld [smem:$0x3FB8];
	_ =	sdelay $0x3  }
0x33: {  	p0 =	seq.s32 s10, $0x1;
	s10 =	sld [smem:$0x3FBA];
	_ =	sdelay $0x3  }
0x34: {  	[smem:$0x3FBA] =	sst s10  }
0x35: {  	s10 =	sld [smem:$0x3FB9];
	_ =	sdelay $0x3  }
0x36: {  	p1 =	seq.s32 s10, $0x1;
	s10 =	sld [smem:$0x3FBA];
	_ =	sdelay $0x3  }
0x37: {  	[smem:$0x3FBA] =	sst s10  }
0x38: {  	s10 =	sld [smem:$0x3FBB]  }
0x39: {  	_ = 	snop;
	(pc) =	sbr.ind lr, $3  }
0x3a: {  	_ = 	snop  }
0x3b: {  	_ = 	snop  }
0x3c: {  	p2 =	seq.s32 s10, $0x1;
	s10 =	sld [smem:$0x3FBA]  }
0x3d: {  	_ =	shalt  }
0x3e: {  	_ =	shalt  }
0x3f: {  	_ =	shalt  }
0x40: {  	_ =	shalt  }
0x41: {  	_ =	shalt  }
0x42: {  	_ =	shalt  }
0x43: {  	_ =	shalt  }
0x44: {  	_ =	shalt  }
0x45: {  	_ =	shalt  }
0x46: {  	_ =	shalt  }
0x47: {  	_ =	shalt  }
0x48: {  	_ =	shalt  }
0x49: {  	_ =	shalt  }
0x4a: {  	_ =	shalt  }
0x4b: {  	_ =	shalt  }
0x4c: {  	_ =	shalt  }
0x4d: {  	_ =	shalt  }
0x4e: {  	_ =	shalt  }
0x4f: {  	_ =	shalt  }
0x50: {  	_ =	shalt  }
0x51: {  	_ =	shalt  }
0x52: {  	_ =	shalt  }
0x53: {  	_ =	shalt  }
0x54: {  	_ =	shalt  }
0x55: {  	_ =	shalt  }
0x56: {  	_ =	shalt  }
0x57: {  	_ =	shalt  }
0x58: {  	_ =	shalt  }
0x59: {  	_ =	shalt  }
0x5a: {  	_ =	shalt  }
0x5b: {  	_ =	shalt  }
0x5c: {  	_ =	shalt  }
0x5d: {  	_ =	shalt  }
0x5e: {  	_ =	shalt  }
0x5f: {  	_ =	shalt  }
0x60: {  	_ =	shalt  }
0x61: {  	_ =	shalt  }
0x62: {  	_ =	shalt  }
0x63: {  	_ =	shalt  }
0x64: {  	_ =	shalt  }
0x65: {  	_ =	shalt  }
0x66: {  	_ =	shalt  }
0x67: {  	_ =	shalt  }
0x68: {  	_ =	shalt  }
0x69: {  	_ =	shalt  }
0x6a: {  	_ =	shalt  }
0x6b: {  	_ =	shalt  }
0x6c: {  	_ =	shalt  }
0x6d: {  	_ =	shalt  }
0x6e: {  	_ =	shalt  }
0x6f: {  	_ =	shalt  }
0x70: {  	_ =	shalt  }
0x71: {  	_ =	shalt  }
0x72: {  	_ =	shalt  }
0x73: {  	_ =	shalt  }
0x74: {  	_ =	shalt  }
0x75: {  	_ =	shalt  }
0x76: {  	_ =	shalt  }
0x77: {  	_ =	shalt  }
0x78: {  	_ =	shalt  }
0x79: {  	_ =	shalt  }
0x7a: {  	_ =	shalt  }
0x7b: {  	_ =	shalt  }
0x7c: {  	_ =	shalt  }
0x7d: {  	_ =	shalt  }
0x7e: {  	_ =	shalt  }
0x7f: {  	_ =	shalt  }
0x80: {  	_ =	shalt  }
0x81: {  	_ =	shalt  }
0x82: {  	_ =	shalt  }
0x83: {  	_ =	shalt  }
0x84: {  	_ =	shalt  }
0x85: {  	_ =	shalt  }
0x86: {  	_ =	shalt  }
0x87: {  	_ =	shalt  }
.Lfunc_end0:
.L_simem_size_0:
called_computation_lowered:
.L_overlay_start_0:
0x88: {  	s2 =	sld [smem:$0x3FD9]  }
0x89: {  	s3 =	sld [smem:$0x3FFE];
	_ =	sdelay $0x1  }
0x8a: {  	s1 =	srdreg.scid  }
0x8b: {  	s0 =	sand.u32 $0x1, s1  }
0x8c: {  	s14 =	sshll.u32 s0, $0xA;
	s2 =	sadd.s32 s3, s2  }
0x8d: {  	s2 =	sadd.s32 s2, s14  }
0x8e: {  	[smem:$0x3FC6] =	sst s2  }
0x8f: {  	_ = 	snop  }
0x90: {  	s2 =	sld [smem:$0x3FD0];
	_ =	sdelay $0x2  }
0x91: {  	s15 =	simm.s32 $0xA;
	s4 =	simm.s32 $0x10  }
0x92: {  	[smem:s4], [sflag:s15] =	dma.local [hbm:s2], $0x1  }
0x93: {  	_ =	swait.eq [sflag:s15], $0x1  }
0x94: {  	[sflag:s15] =	ssyncset.done $0x0  }
0x95: {  	[sflag:s15] =	ssyncadd.s32 $0xFFFFFFFF  }
0x96: {  	s16 =	sld [smem:$0x10];
	(tm) =	ssettm $0x1  }
0x97: {  	s17 =	sld [smem:$0x3FFB];
	_ =	sdelay $0x3  }
0x98: {  	_ =	strace s17  }
0x99: {  	s3 =	sld [smem:$0x3FFC];
	_ =	sdelay $0x3  }
0x9a: {  	_ =	strace s3  }
0x9b: {  	s3 =	sld [smem:$0x3FFD];
	_ =	sdelay $0x3  }
0x9c: {  	_ =	strace s3  }
0x9d: {  	_ =	strace $0x8FFFFFFF  }
0x9e: {  	s18 =	sld [smem:$0x3FDB];
	_ =	sdelay $0x1  }
0x9f: {  	s19 =	simm.s32 $_scs_section_size  }
0xa0: {  	s5 =	simm.s32 $_size__tile_overlayer_lowered;
	s6 =	simm.s32 $_tile_overlayer_lowered  }
0xa1: {  	s22 =	simm.s32 $0x1BFF;
	s21 =	sshll.u32 s6, $0x1;
	s3 =	sadd.s32 s19, s18  }
0xa2: {  	s7 =	simm.s32 $0x0;
	s20 =	sshll.u32 s5, $0x1;
	s5 =	sadd.s32 s21, s3  }
0xa3: {  	[timem:s7], [sflag:s22] =	dma.local [hbm:s5], s20  }
0xa4: {  	_ =	swait.ge [sflag:s22], s20  }
0xa5: {  	s4 =	ssub.s32 $0x0, s20;
	[sflag:s22] =	ssyncset.done $0x0  }
0xa6: {  	[sflag:s22] =	ssyncadd.s32 s4;
	_ =	sdelay $0x1  }
0xa7: {  	s23 =	simm.s32 $0x1B8B  }
0xa8: {  	_ =	swait.ge [sflag:s23], $0x1  }
0xa9: {  	[sflag:s23] =	ssyncset.done $0x0  }
0xaa: {  	s25 =	simm.s32 $0x1B8E;
	s24 =	sld [smem:$0x3FFE];
	[sflag:s23] =	ssyncadd.s32 $0xFFFFFFFF  }
0xab: {  	s26 =	simm.s32 $execute0_lowered;
	[smem:$0x3FD2] =	sst s25  }
0xac: {  	s5 =	sshll.u32 s26, $0x1;
	_ =	strace $0x80000046;
	[dreg:$0x1] =	wrdreg $0xFFFFFFFF  }
0xad: {  	s28 =	simm.s32 $_size_execute0_lowered;
	s3 =	sadd.s32 s3, s5;
	[dreg:$0x0] =	wrdreg $0x0  }
0xae: {  	s5 =	sshll.u32 s28, $0x1;
	[dreg:$0x2] =	wrdreg s3  }
0xaf: {  	[dreg:$0x3] =	wrdreg s5  }
0xb0: {  	[dreg:$0x4] =	wrdreg $0xC0  }
0xb1: {  	_ =	task [dreg:s7], $0x5FFFF  }
0xb2: {  	[dreg:$0x1] =	wrdreg $0xFFFFFFFF  }
0xb3: {  	[dreg:$0x0] =	wrdreg $0x60  }
0xb4: {  	[dreg:$0x2] =	wrdreg s24  }
0xb5: {  	[dreg:$0x3] =	wrdreg s16  }
0xb6: {  	[dreg:$0x4] =	wrdreg $0x9  }
0xb7: {  	_ =	task.clear_ibuf [dreg:s7], $0x5FFFF;
	_ =	strace $0x90000046  }
0xb8: {  	s29 =	simm.s32 $0x9;
	_ =	strace $0x80000048  }
0xb9: {  	_ =	swait.ge [sflag:s29], $0x1  }
0xba: {  	[sflag:s29] =	ssyncadd.s32 $0xFFFFFFFF  }
0xbb: {  	_ =	strace $0x90000048  }
0xbc: {  	_ =	sfence  }
0xbd: {  	s30 =	sld [smem:$0x0];
	_ =	sdelay $0x2  }
0xbe: {  	s31 =	sshll.u32 s1, $0xD;
	s1 =	sshrl.u32 s1, $0x2  }
0xbf: {  	s3 =	sand.u32 $0x4000, s31;
	s1 =	sadd.s32 s1, s30  }
0xc0: {  	s0 =	sor.u32 s3, s0;
	s1 =	sshll.u32 s1, $0x11  }
0xc1: {  	s0 =	sor.u32 s1, s0  }
0xc2: {  	s0 =	sadd.s32 $0x8F2B, s0  }
0xc3: {  	[sflag:s0] =	ssyncadd.remote.s32 $0x1  }
0xc4: {  	_ =	sfence.sel $0xFFFF  }
0xc5: {  	[dreg:$0x0] =	wrdreg $0xFFFFFFFF;
	(pc) =	sbr.abs _section_cstart, $3  }
0xc6: {  	[dreg:$0x1] =	wrdreg $0xFFFFFFFF  }
0xc7: {  	_ =	task.clear_ibuf [dreg:s7], $0x2FFFF;
	_ =	strace $0x9FFFFFFF  }
0xc8: {  	(tm) =	ssettm $0x7FFFFFFF  }
0xc9: {  	_ =	shalt  }
tec
execute0_lowered:
.L_overlay_start_1:
0x0: {  	(tag) =	ssettag $0x1  }
0x1: {  	s1 =	srdreg.scid  }
0x2: {  	s2 =	rddreg [dreg:$0x0];
	s0 =	stileid.u32;
	s19 =	sand.u32 $0x1, s1  }
0x3: {  	s17 =	rddreg [dreg:$0x1];
	s4 =	sshll.u32 s0, $0xA;
	s5 =	sshll.u32 s19, $0x9  }
0x4: {  	s3 =	simm.s32 $0x0;
	s1 =	rddreg [dreg:$0x2];
	s18 =	sor.u32 s5, s4  }
0x5: {  	[smem:$0x7FF] =	sst s3;
	s4 =	sshrl.u32 s18, $0x3  }
0x6: {  	_ =	strace $0x80000047;
	s5 =	sadd.s32 s17, s4;
	s4 =	simm.s32 $0x2  }
0x7: {  	[tilespmem:s3], [sflag:$0x2] =	stream.linear.gather [hbm4b:s5+s3], $0x80, $0x38;
	[tilespmem:$0x10200] =	vst v63  }
0x8: {  	_ =	swait.ge [sflag:s4], $0x80  }
0x9: {  	s6 =	simm.s32 $0x80;
	[sflag:s4] =	ssyncset.done $0x0  }
0xa: {  	s7 =	simm.s32 $0x200;
	s8 =	simm.s32 $0x1;
	[sflag:s4] =	ssyncadd.s32 $0xFFFFFF80  }
0xb: {  	[tilespmem:s7], [sflag:$0x1] =	stream.indirect.gather [hbm4b:s2+s6], $0x80, s3, s6, $0xb8;
	[tilespmem:$0x10200] =	vst v63  }
0xc: {  	_ =	swait.ge [sflag:s8], $0x4000  }
0xd: {  	s20 =	sadd.s32 $0x20000, s2;
	s9 =	sshll.u32 s18, $0x4;
	[sflag:s8] =	ssyncset.done $0x0  }
0xe: {  	s9 =	sadd.s32 s20, s9;
	[sflag:s8] =	ssyncadd.s32 $0xFFFFC000  }
0xf: {  	[hbm4b:s9+s3] =	stream.linear.scatter [tilespmem:s7], [sflag:$0x2], $0x4000, $0x38;
	[tilespmem:$0x10200] =	vst v63  }
0x10: {  	s12 =	sor.u32 $0x80, s18;
	_ =	swait.ge [sflag:s4], $0x4000  }
0x11: {  	s10 =	sshrl.u32 s12, $0x3;
	[sflag:s4] =	ssyncset.done $0x0  }
0x12: {  	s10 =	sadd.s32 s17, s10;
	[sflag:s4] =	ssyncadd.s32 $0xFFFFC000  }
0x13: {  	[tilespmem:s6], [sflag:$0x2] =	stream.linear.gather [hbm4b:s10+s3], $0x80, $0x38;
	[tilespmem:$0x10200] =	vst v63  }
0x14: {  	_ =	swait.ge [sflag:s4], $0x80  }
0x15: {  	[sflag:s4] =	ssyncset.done $0x0  }
0x16: {  	s11 =	simm.s32 $0x4200;
	[sflag:s4] =	ssyncadd.s32 $0xFFFFFF80  }
0x17: {  	[tilespmem:s11], [sflag:$0x1] =	stream.indirect.gather [hbm4b:s2+s6], $0x80, s6, s6, $0xb8;
	[tilespmem:$0x10200] =	vst v63  }
0x18: {  	_ =	swait.ge [sflag:s8], $0x4000  }
0x19: {  	s12 =	sshll.u32 s12, $0x4;
	[sflag:s8] =	ssyncset.done $0x0  }
0x1a: {  	s12 =	sadd.s32 s20, s12;
	[sflag:s8] =	ssyncadd.s32 $0xFFFFC000  }
0x1b: {  	[hbm4b:s12+s3] =	stream.linear.scatter [tilespmem:s11], [sflag:$0x2], $0x4000, $0x38;
	[tilespmem:$0x10200] =	vst v63  }
0x1c: {  	s16 =	sor.u32 $0x100, s18;
	_ =	swait.ge [sflag:s4], $0x4000  }
0x1d: {  	s13 =	sshrl.u32 s16, $0x3;
	[sflag:s4] =	ssyncset.done $0x0  }
0x1e: {  	s14 =	simm.s32 $0x100;
	s13 =	sadd.s32 s17, s13;
	[sflag:s4] =	ssyncadd.s32 $0xFFFFC000  }
0x1f: {  	[tilespmem:s14], [sflag:$0x2] =	stream.linear.gather [hbm4b:s13+s3], $0x80, $0x38;
	[tilespmem:$0x10200] =	vst v63  }
0x20: {  	_ =	swait.ge [sflag:s4], $0x80  }
0x21: {  	[sflag:s4] =	ssyncset.done $0x0  }
0x22: {  	s15 =	simm.s32 $0x8200;
	[sflag:s4] =	ssyncadd.s32 $0xFFFFFF80  }
0x23: {  	[tilespmem:s15], [sflag:$0x1] =	stream.indirect.gather [hbm4b:s2+s6], $0x80, s14, s6, $0xb8;
	[tilespmem:$0x10200] =	vst v63  }
0x24: {  	_ =	swait.ge [sflag:s8], $0x4000  }
0x25: {  	s16 =	sshll.u32 s16, $0x4;
	[sflag:s8] =	ssyncset.done $0x0  }
0x26: {  	s16 =	sadd.s32 s20, s16;
	[sflag:s8] =	ssyncadd.s32 $0xFFFFC000  }
0x27: {  	[hbm4b:s16+s3] =	stream.linear.scatter [tilespmem:s15], [sflag:$0x2], $0x4000, $0x38;
	[tilespmem:$0x10200] =	vst v63  }
0x28: {  	s21 =	sor.u32 $0x180, s18;
	_ =	swait.ge [sflag:s4], $0x4000  }
0x29: {  	s22 =	ssub.s32 $0x2, s19;
	s18 =	sshrl.u32 s21, $0x3;
	[sflag:s4] =	ssyncset.done $0x0  }
0x2a: {  	s17 =	sadd.s32 s17, s18;
	s18 =	simm.s32 $0x180;
	[sflag:s4] =	ssyncadd.s32 $0xFFFFC000  }
0x2b: {  	[tilespmem:s18], [sflag:$0x2] =	stream.linear.gather [hbm4b:s17+s3], $0x80, $0x38;
	[tilespmem:$0x10200] =	vst v63  }
0x2c: {  	s23 =	sshrl.u32 s22, $0x1;
	_ =	swait.ge [sflag:s4], $0x80  }
0x2d: {  	s22 =	ssub.s32 s22, s23;
	[sflag:s4] =	ssyncset.done $0x0  }
0x2e: {  	s19 =	simm.s32 $0xC200;
	s31 =	smax.u32 s22, $0x1;
	[sflag:s4] =	ssyncadd.s32 $0xFFFFFF80  }
0x2f: {  	[tilespmem:s19], [sflag:$0x1] =	stream.indirect.gather [hbm4b:s2+s6], $0x80, s18, s6, $0xb8;
	[tilespmem:$0x10200] =	vst v63  }
0x30: {  	p0 =	sne.s32 s31, $0x1;
	_ =	swait.ge [sflag:s8], $0x4000  }
.Ltmp0:
0x31: {  	s21 =	sshll.u32 s21, $0x4;
	[sflag:s8] =	ssyncset.done $0x0;
	(pc) =	sbr.rel @!p0 .LBB2_2-.Ltmp0, $4  }
0x32: {  	s20 =	sadd.s32 s20, s21;
	[sflag:s8] =	ssyncadd.s32 $0xFFFFC000  }
0x33: {  	[hbm4b:s20+s3] =	stream.linear.scatter [tilespmem:s19], [sflag:$0x2], $0x4000, $0x38;
	[tilespmem:$0x10200] =	vst v63  }
0x34: {  	_ =	swait.ge [sflag:s4], $0x4000  }
0x35: {  	s21 =	sadd.s32 $0xFFFFFFFF, s31;
	[sflag:s4] =	ssyncset.done $0x0  }
.LBB2_1:
0x36: {  	p0 =	sne.s32 s21, $0x1;
	s21 =	sadd.s32 $0xFFFFFFFF, s21;
	[sflag:s4] =	ssyncadd.s32 $0xFFFFC000  }
0x37: {  	[tilespmem:s3], [sflag:$0x2] =	stream.linear.gather [hbm4b:s5+s3], $0x80, $0x38;
	[tilespmem:$0x10200] =	vst v63  }
0x38: {  	_ =	swait.ge [sflag:s4], $0x80  }
0x39: {  	[sflag:s4] =	ssyncset.done $0x0  }
0x3a: {  	[sflag:s4] =	ssyncadd.s32 $0xFFFFFF80  }
0x3b: {  	[tilespmem:s7], [sflag:$0x1] =	stream.indirect.gather [hbm4b:s2+s6], $0x80, s3, s6, $0xb8;
	[tilespmem:$0x10200] =	vst v63  }
0x3c: {  	_ =	swait.ge [sflag:s8], $0x4000  }
0x3d: {  	[sflag:s8] =	ssyncset.done $0x0  }
0x3e: {  	[sflag:s8] =	ssyncadd.s32 $0xFFFFC000  }
0x3f: {  	[hbm4b:s9+s3] =	stream.linear.scatter [tilespmem:s7], [sflag:$0x2], $0x4000, $0x38;
	[tilespmem:$0x10200] =	vst v63  }
0x40: {  	_ =	swait.ge [sflag:s4], $0x4000  }
0x41: {  	[sflag:s4] =	ssyncset.done $0x0  }
0x42: {  	[sflag:s4] =	ssyncadd.s32 $0xFFFFC000  }
0x43: {  	[tilespmem:s6], [sflag:$0x2] =	stream.linear.gather [hbm4b:s10+s3], $0x80, $0x38;
	[tilespmem:$0x10200] =	vst v63  }
0x44: {  	_ =	swait.ge [sflag:s4], $0x80  }
0x45: {  	[sflag:s4] =	ssyncset.done $0x0  }
0x46: {  	[sflag:s4] =	ssyncadd.s32 $0xFFFFFF80  }
0x47: {  	[tilespmem:s11], [sflag:$0x1] =	stream.indirect.gather [hbm4b:s2+s6], $0x80, s6, s6, $0xb8;
	[tilespmem:$0x10200] =	vst v63  }
0x48: {  	_ =	swait.ge [sflag:s8], $0x4000  }
0x49: {  	[sflag:s8] =	ssyncset.done $0x0  }
0x4a: {  	[sflag:s8] =	ssyncadd.s32 $0xFFFFC000  }
0x4b: {  	[hbm4b:s12+s3] =	stream.linear.scatter [tilespmem:s11], [sflag:$0x2], $0x4000, $0x38;
	[tilespmem:$0x10200] =	vst v63  }
0x4c: {  	_ =	swait.ge [sflag:s4], $0x4000  }
0x4d: {  	[sflag:s4] =	ssyncset.done $0x0  }
0x4e: {  	[sflag:s4] =	ssyncadd.s32 $0xFFFFC000  }
0x4f: {  	[tilespmem:s14], [sflag:$0x2] =	stream.linear.gather [hbm4b:s13+s3], $0x80, $0x38;
	[tilespmem:$0x10200] =	vst v63  }
0x50: {  	_ =	swait.ge [sflag:s4], $0x80  }
0x51: {  	[sflag:s4] =	ssyncset.done $0x0  }
0x52: {  	[sflag:s4] =	ssyncadd.s32 $0xFFFFFF80  }
0x53: {  	[tilespmem:s15], [sflag:$0x1] =	stream.indirect.gather [hbm4b:s2+s6], $0x80, s14, s6, $0xb8;
	[tilespmem:$0x10200] =	vst v63  }
0x54: {  	_ =	swait.ge [sflag:s8], $0x4000  }
0x55: {  	[sflag:s8] =	ssyncset.done $0x0  }
0x56: {  	[sflag:s8] =	ssyncadd.s32 $0xFFFFC000  }
0x57: {  	[hbm4b:s16+s3] =	stream.linear.scatter [tilespmem:s15], [sflag:$0x2], $0x4000, $0x38;
	[tilespmem:$0x10200] =	vst v63  }
0x58: {  	_ =	swait.ge [sflag:s4], $0x4000  }
0x59: {  	[sflag:s4] =	ssyncset.done $0x0  }
0x5a: {  	[sflag:s4] =	ssyncadd.s32 $0xFFFFC000  }
0x5b: {  	[tilespmem:s18], [sflag:$0x2] =	stream.linear.gather [hbm4b:s17+s3], $0x80, $0x38;
	[tilespmem:$0x10200] =	vst v63  }
0x5c: {  	_ =	swait.ge [sflag:s4], $0x80  }
0x5d: {  	[sflag:s4] =	ssyncset.done $0x0  }
0x5e: {  	[sflag:s4] =	ssyncadd.s32 $0xFFFFFF80  }
0x5f: {  	[tilespmem:s19], [sflag:$0x1] =	stream.indirect.gather [hbm4b:s2+s6], $0x80, s18, s6, $0xb8;
	[tilespmem:$0x10200] =	vst v63  }
0x60: {  	_ =	swait.ge [sflag:s8], $0x4000  }
.Ltmp1:
0x61: {  	[sflag:s8] =	ssyncset.done $0x0;
	(pc) =	sbr.rel @p0 .LBB2_1-.Ltmp1, $4  }
0x62: {  	[sflag:s8] =	ssyncadd.s32 $0xFFFFC000  }
0x63: {  	[hbm4b:s20+s3] =	stream.linear.scatter [tilespmem:s19], [sflag:$0x2], $0x4000, $0x38;
	[tilespmem:$0x10200] =	vst v63  }
0x64: {  	_ =	swait.ge [sflag:s4], $0x4000  }
0x65: {  	[sflag:s4] =	ssyncset.done $0x0  }
.LBB2_2:
0x66: {  	[sflag:s4] =	ssyncadd.s32 $0xFFFFC000  }
0x67: {  	_ =	sfence.sel $0x180000  }
0x68: {  	[bflag:$0x0] =	sbarrier.arrive $0xFFFF  }
0x69: {  	p0 =	sne.s32 s0, $0x0;
	_ =	strace $0x90000047  }
0x6a: {  	s0 =	sadd.s32 @!p0 $0x100000, s1;
	[bflag:$0x2] =	sbarrier.arrive $0xFFFF  }
0x6b: {  	[sflag:s0] =	ssyncadd.tile.s32 @!p0 $0x1;
	_ =	shalt  }
.Lfunc_end2:
_tile_overlayer_lowered:
.L_overlay_start_2:
0x6c: {  	(tag) =	ssettag $0x2  }
0x6d: {  	s0 =	rddreg [dreg:$0x0];
	s2 =	stileid.u32  }
0x6e: {  	s1 =	rddreg [dreg:$0x1];
	p0 =	sne.s32 s2, $0x0  }
0x6f: {  	s3 =	rddreg [dreg:$0x2];
	[bflag:$0x3] =	sbarrier.arrive $0xFFFF;
	s2 =	simm.s32 @!p0 $0x1C02  }
0x70: {  	[timem:s3], [sflag:s2] =	dma.local @!p0 [hbm:s0], s1  }
0x71: {  	s0 =	simm.s32 @!p0 $0x2  }
0x72: {  	_ =	swait.ge @!p0 [sflag:s0], s1  }
0x73: {  	s1 =	ssub.s32 @!p0 $0x0, s1;
	[sflag:s0] =	ssyncset.done @!p0 $0x0  }
0x74: {  	[sflag:s0] =	ssyncadd.s32 @!p0 s1  }
0x75: {  	[bflag:$0x3] =	sbarrier.arrive $0xFFFF  }
0x76: {  	_ =	shalt  }

</sc_bundles>
